<compile_context>
chip_gen: v7x
topology: tpu7x:2x2x1
jax: 0.10.2.dev20260603
libtpu: 0.0.44.dev20260713+nightly
codegen_flags: <defaults>
</compile_context>

<pallas_src>
import functools

import jax
import jax.numpy as jnp
from jax import lax
from jax.experimental import pallas as pl
from jax.experimental.pallas import tpu as pltpu
from jax.experimental.pallas import tpu_sc as plsc

NN = 10000
EE = 320000
D_IN = 128
HID = 256
NCLS = 40
EPS = 1e-5

NC, NS = 2, 16
NW = NC * NS
N_PAD = 10240
ROWS_PT = N_PAD // NS
E_PAD = 327680
BLK = 128
CH = 128
JUNK = N_PAD - NN
F3 = 48

_mesh = plsc.VectorSubcoreMesh(core_axis_name="c", subcore_axis_name="s")


def _fill(ref, rows, cols, value):
    npc = cols // 16

    def body(i, _):
        r = i // npc
        col = (i % npc) * 16
        ref[r, pl.ds(col, 16)] = jnp.full((16,), value, jnp.float32)
        return 0

    lax.fori_loop(0, rows * npc, body, 0)


def _fill1d(ref, n, value):
    def body(i, _):
        ref[pl.ds(i * 16, 16)] = jnp.full((16,), value, jnp.float32)
        return 0

    lax.fori_loop(0, n // 16, body, 0)


@functools.partial(
    pl.kernel,
    out_type=jax.ShapeDtypeStruct((NC, N_PAD), jnp.float32),
    mesh=_mesh,
    scratch_types=[
        pltpu.VMEM((BLK,), jnp.int32),
        pltpu.VMEM((BLK,), jnp.float32),
        pltpu.VMEM((ROWS_PT,), jnp.float32),
        pltpu.VMEM_SHARED((N_PAD,), jnp.float32),
    ],
)
def _hist(src, dst, out, idx_v, ones_v, buf_v, acc):
    c = lax.axis_index("c")
    s = lax.axis_index("s")
    _fill1d(ones_v, BLK, 1.0)
    _fill1d(buf_v, ROWS_PT, 0.0)
    pltpu.sync_copy(buf_v, acc.at[pl.ds(s * ROWS_PT, ROWS_PT)])
    plsc.subcore_barrier()

    nblk = (E_PAD // NS) // BLK

    def step(i, _):
        base = s * (E_PAD // NS) + i * BLK

        @pl.when(c == 0)
        def _():
            pltpu.sync_copy(src.at[pl.ds(base, BLK)], idx_v)

        @pl.when(c == 1)
        def _():
            pltpu.sync_copy(dst.at[pl.ds(base, BLK)], idx_v)

        pltpu.sync_copy(ones_v, acc.at[idx_v], add=True)
        return 0

    lax.fori_loop(0, nblk, step, 0)
    plsc.subcore_barrier()
    pltpu.sync_copy(acc.at[pl.ds(s * ROWS_PT, ROWS_PT)], buf_v)
    pltpu.sync_copy(buf_v, out.at[c, pl.ds(s * ROWS_PT, ROWS_PT)])


def _make_agg_edge(F):
    @functools.partial(
        pl.kernel,
        out_type=jax.ShapeDtypeStruct((NC, N_PAD, F), jnp.float32),
        mesh=_mesh,
        scratch_types=[
            pltpu.VMEM((BLK,), jnp.int32),
            pltpu.VMEM((BLK,), jnp.int32),
            pltpu.VMEM((BLK, F), jnp.float32),
            pltpu.VMEM((CH, F), jnp.float32),
            pltpu.VMEM_SHARED((N_PAD, F), jnp.float32),
            pltpu.SemaphoreType.DMA,
        ],
        compiler_params=pltpu.CompilerParams(use_tc_tiling_on_sc=(F % 128 == 0)),
    )
    def agg(feats, src, dst, out, sidx_v, didx_v, rows_v, buf_v, acc, sem):
        c = lax.axis_index("c")
        s = lax.axis_index("s")
        wid = s * NC + c
        _fill(buf_v, CH, F, 0.0)

        def zacc(k, _):
            pltpu.sync_copy(buf_v, acc.at[pl.ds(s * ROWS_PT + k * CH, CH), :])
            return 0

        lax.fori_loop(0, ROWS_PT // CH, zacc, 0)
        plsc.subcore_barrier()

        epw = E_PAD // NW
        nblk = epw // BLK

        def step(i, _):
            base = wid * epw + i * BLK
            pltpu.sync_copy(src.at[pl.ds(base, BLK)], sidx_v)
            cp = pltpu.async_copy(feats.at[sidx_v], rows_v, sem)
            pltpu.sync_copy(dst.at[pl.ds(base, BLK)], didx_v)
            cp.wait()
            pltpu.sync_copy(rows_v, acc.at[didx_v], add=True)
            return 0

        lax.fori_loop(0, nblk, step, 0)
        plsc.subcore_barrier()

        def co(k, _):
            r0 = s * ROWS_PT + k * CH
            pltpu.sync_copy(acc.at[pl.ds(r0, CH), :], buf_v)
            pltpu.sync_copy(buf_v, out.at[c, pl.ds(r0, CH), :])
            return 0

        lax.fori_loop(0, ROWS_PT // CH, co, 0)

    return agg


_agg_e128 = _make_agg_edge(D_IN)
_agg_e48 = _make_agg_edge(F3)


@functools.partial(
    pl.kernel,
    out_type=jax.ShapeDtypeStruct((NC, N_PAD, 128), jnp.float32),
    mesh=_mesh,
    scratch_types=[
        pltpu.VMEM((BLK,), jnp.int32),
        pltpu.VMEM((BLK,), jnp.int32),
        pltpu.VMEM((BLK, 128), jnp.float32),
        pltpu.VMEM((CH, 128), jnp.float32),
        pltpu.VMEM_SHARED((N_PAD, 128), jnp.float32),
        pltpu.SemaphoreType.DMA,
    ],
)
def _agg_feat(ha, hb, src, dst, out, sidx_v, didx_v, rows_v, buf_v, acc, sem):
    c = lax.axis_index("c")
    s = lax.axis_index("s")
    _fill(buf_v, CH, 128, 0.0)

    def zacc(k, _):
        pltpu.sync_copy(buf_v, acc.at[pl.ds(s * ROWS_PT + k * CH, CH), :])
        return 0

    lax.fori_loop(0, ROWS_PT // CH, zacc, 0)
    plsc.subcore_barrier()

    ept = E_PAD // NS
    nblk = ept // BLK

    def step(i, _):
        base = s * ept + i * BLK
        pltpu.sync_copy(src.at[pl.ds(base, BLK)], sidx_v)

        @pl.when(c == 0)
        def _():
            pltpu.async_copy(ha.at[sidx_v], rows_v, sem).wait()

        @pl.when(c == 1)
        def _():
            pltpu.async_copy(hb.at[sidx_v], rows_v, sem).wait()

        pltpu.sync_copy(dst.at[pl.ds(base, BLK)], didx_v)
        pltpu.sync_copy(rows_v, acc.at[didx_v], add=True)
        return 0

    lax.fori_loop(0, nblk, step, 0)
    plsc.subcore_barrier()

    def co(k, _):
        r0 = s * ROWS_PT + k * CH
        pltpu.sync_copy(acc.at[pl.ds(r0, CH), :], buf_v)
        pltpu.sync_copy(buf_v, out.at[c, pl.ds(r0, CH), :])
        return 0

    lax.fori_loop(0, ROWS_PT // CH, co, 0)


def _t0_body(x_ref, cnt_ref, scales_ref, xs_ref):
    sc = lax.rsqrt(jnp.maximum(cnt_ref[...], 1.0))
    scales_ref[...] = sc
    xs_ref[:NN, :] = x_ref[...] * sc[:, 0:1]
    xs_ref[NN:, :] = jnp.zeros((JUNK, D_IN), jnp.float32)


_t0 = pl.pallas_call(
    _t0_body,
    out_shape=(
        jax.ShapeDtypeStruct((NN, 2), jnp.float32),
        jax.ShapeDtypeStruct((N_PAD, D_IN), jnp.float32),
    ),
)


def _t1_body(p_ref, sc_ref, w0_ref, w1_ref, g0_ref, be0_ref, ha_ref, hb_ref):
    agg = p_ref[0, :NN, :] + p_ref[1, :NN, :]
    dis = sc_ref[...]
    h = jnp.dot(agg, w0_ref[...], preferred_element_type=jnp.float32)
    h = h * dis[:, 1:2]
    mu = jnp.mean(h, axis=0, keepdims=True)
    var = jnp.mean((h - mu) ** 2, axis=0, keepdims=True)
    hn = (h - mu) * lax.rsqrt(var + EPS) * g0_ref[...][None, :] + be0_ref[...][None, :]
    hn = jnp.maximum(hn, 0.0) * dis[:, 0:1]
    h2 = jnp.dot(hn, w1_ref[...], preferred_element_type=jnp.float32)
    ha_ref[:NN, :] = h2[:, :128]
    ha_ref[NN:, :] = jnp.zeros((JUNK, 128), jnp.float32)
    hb_ref[:NN, :] = h2[:, 128:]
    hb_ref[NN:, :] = jnp.zeros((JUNK, 128), jnp.float32)


_t1 = pl.pallas_call(
    _t1_body,
    out_shape=(
        jax.ShapeDtypeStruct((N_PAD, 128), jnp.float32),
        jax.ShapeDtypeStruct((N_PAD, 128), jnp.float32),
    ),
)


def _t2_body(q_ref, sc_ref, w2_ref, g1_ref, be1_ref, f3_ref):
    agg = jnp.concatenate([q_ref[0, :NN, :], q_ref[1, :NN, :]], axis=1)
    dis = sc_ref[...]
    h = agg * dis[:, 1:2]
    mu = jnp.mean(h, axis=0, keepdims=True)
    var = jnp.mean((h - mu) ** 2, axis=0, keepdims=True)
    hn = (h - mu) * lax.rsqrt(var + EPS) * g1_ref[...][None, :] + be1_ref[...][None, :]
    hn = jnp.maximum(hn, 0.0) * dis[:, 0:1]
    h3 = jnp.dot(hn, w2_ref[...], preferred_element_type=jnp.float32)
    f3_ref[:NN, :NCLS] = h3
    f3_ref[:NN, NCLS:] = jnp.zeros((NN, F3 - NCLS), jnp.float32)
    f3_ref[NN:, :] = jnp.zeros((JUNK, F3), jnp.float32)


_t2 = pl.pallas_call(
    _t2_body,
    out_shape=jax.ShapeDtypeStruct((N_PAD, F3), jnp.float32),
)


def _t3_body(r_ref, sc_ref, b2_ref, out_ref):
    agg = r_ref[0, :NN, :NCLS] + r_ref[1, :NN, :NCLS]
    dis = sc_ref[...]
    out_ref[...] = agg * dis[:, 1:2] + b2_ref[...][None, :]


_t3 = pl.pallas_call(
    _t3_body,
    out_shape=jax.ShapeDtypeStruct((NN, NCLS), jnp.float32),
)


def kernel(x, edge_index, W0, W1, W2, b2, g0, be0, g1, be1):
    src = edge_index[0]
    dst = edge_index[1]
    pad = (jnp.arange(E_PAD - EE, dtype=jnp.int32) % JUNK) + NN
    srcp = jnp.concatenate([src, pad])
    dstp = jnp.concatenate([dst, pad])

    cnts = _hist(srcp, dstp)
    cnt_t = cnts[:, :NN].T
    scales, xs = _t0(x, cnt_t)
    p1 = _agg_e128(xs, srcp, dstp)
    ha, hb = _t1(p1, scales, W0, W1, g0, be0)
    q2 = _agg_feat(ha, hb, srcp, dstp)
    f3 = _t2(q2, scales, W2, g1, be1)
    r3 = _agg_e48(f3, srcp, dstp)
    return _t3(r3, scales, b2)

# --- scband reference (transcript-rebuilt; emitter-appended) ---
"""Pipeline reference for scband-ogb-gcn-80762565034380 (READ-ONLY COPY).

The authoritative reference and input builder live on the scoring server;
editing this copy changes nothing except your own understanding.
"""

import jax, jax.numpy as jnp
import numpy as np

N = 10000
E = 320000
D_IN = 128
H = 256
C = 40
EPS = 1e-5


def setup_inputs(seed: int = 0):
    key = jax.random.key(seed)
    ks = jax.random.split(key, 12)
    x = jax.random.normal(ks[0], (N, D_IN), dtype=jnp.float32)
    edge_index = jax.random.randint(ks[1], (2, E), 0, N, dtype=jnp.int32)
    W0 = jax.random.normal(ks[2], (D_IN, H), dtype=jnp.float32) / np.sqrt(D_IN)
    W1 = jax.random.normal(ks[3], (H, H), dtype=jnp.float32) / np.sqrt(H)
    W2 = jax.random.normal(ks[4], (H, C), dtype=jnp.float32) / np.sqrt(H)
    b2 = jnp.zeros((C,), dtype=jnp.float32)
    g0 = jnp.ones((H,), dtype=jnp.float32)
    be0 = jnp.zeros((H,), dtype=jnp.float32)
    g1 = jnp.ones((H,), dtype=jnp.float32)
    be1 = jnp.zeros((H,), dtype=jnp.float32)
    return {"x": x, "edge_index": edge_index, "W0": W0, "W1": W1, "W2": W2,
            "b2": b2, "g0": g0, "be0": be0, "g1": g1, "be1": be1}


def _gcn_conv(h, W, src, dst, dout_is, din_is, bias=None):
    # DGL GraphConv with norm='both': D_in^{-1/2} A D_out^{-1/2} X W (+ b)
    h = h * dout_is[:, None]
    h = h @ W
    agg = jnp.zeros((N, h.shape[1]), dtype=h.dtype).at[dst].add(h[src])
    agg = agg * din_is[:, None]
    if bias is not None:
        agg = agg + bias
    return agg


def _bn(h, g, b):
    mu = jnp.mean(h, axis=0)
    var = jnp.var(h, axis=0)
    return (h - mu) / jnp.sqrt(var + EPS) * g + b


def reference(x, edge_index, W0, W1, W2, b2, g0, be0, g1, be1):
    src = edge_index[0]
    dst = edge_index[1]
    dout = jnp.maximum(jnp.bincount(src, length=N), 1).astype(jnp.float32)
    din = jnp.maximum(jnp.bincount(dst, length=N), 1).astype(jnp.float32)
    dout_is = dout ** -0.5
    din_is = din ** -0.5
    # dropout layers are identity in eval mode
    h = _gcn_conv(x, W0, src, dst, dout_is, din_is)
    h = jax.nn.relu(_bn(h, g0, be0))
    h = _gcn_conv(h, W1, src, dst, dout_is, din_is)
    h = jax.nn.relu(_bn(h, g1, be1))
    h = _gcn_conv(h, W2, src, dst, dout_is, din_is, bias=b2)
    return h

if __name__ == "__main__":
    import jax
    _d = setup_inputs()
    print(jax.jit(kernel)(*tuple(_d.values())))

</pallas_src>

<mosaic_0001>
#map = affine_map<(d0, d1) -> (0, 0)>
#map1 = affine_map<(d0, d1) -> (0)>
#map2 = affine_map<(d0, d1) -> (0, 0, 0)>
module attributes {stable_mosaic.version = 14 : i64} {
  func.func @agg(%arg0: i32, %arg1: i32, %arg2: memref<10240x128xf32, #tpu.memory_space<hbm>>, %arg3: memref<327680xi32, #tpu.memory_space<hbm>>, %arg4: memref<327680xi32, #tpu.memory_space<hbm>>, %arg5: memref<2x10240x128xf32, #tpu.memory_space<hbm>>, %arg6: memref<128xi32, #tpu.memory_space<vmem>>, %arg7: memref<128xi32, #tpu.memory_space<vmem>>, %arg8: memref<128x128xf32, #tpu.memory_space<vmem>>, %arg9: memref<128x128xf32, #tpu.memory_space<vmem>>, %arg10: memref<10240x128xf32, #tpu.memory_space<vmem_shared>>, %arg11: memref<!tpu.dma_semaphore, #tpu.memory_space<semaphore_mem>>) attributes {dimension_semantics = [#tpu.dimension_semantics<core_parallel>, #tpu.dimension_semantics<subcore_parallel>], iteration_bounds = array<i64: 2, 16>, scalar_prefetch = 0 : i64, scratch_operands = 6 : i64, tpu.core_type = #tpu.core_type<sc_vector_subcore>, window_params = [{transform_indices = #map}, {transform_indices = #map1}, {transform_indices = #map1}, {transform_indices = #map2}]} {
    %mul3A = arith.constant 2 : i32
    %mul3A_0 = arith.muli %arg1, %mul3A : i32
    %add3A = arith.addi %mul3A_0, %arg0 : i32
    %scan3A = arith.constant 0 : i32
    %scan3A_1 = arith.constant 0 : i32
    %scan3A_2 = arith.constant 1024 : i32
    %scan3A_3 = arith.addi %scan3A_1, %scan3A_2 : i32
    %scan3A_4 = arith.constant 1 : i32
    %scan3A_5 = scf.for %scan3A_29 = %scan3A_1 to %scan3A_3 step %scan3A_4 iter_args(%scan3A_30 = %scan3A) -> (i32)  : i32 {
      %jit3A = arith.constant 8 : i32
      %div3A = arith.divsi %scan3A_29, %jit3A : i32
      %sign3A = arith.constant 0 : i32
      %sign3A_31 = arith.cmpi sgt, %scan3A_29, %sign3A : i32
      %sign3A_32 = arith.extui %sign3A_31 : i1 to i32
      %sign3A_33 = arith.constant 0 : i32
      %sign3A_34 = arith.cmpi slt, %scan3A_29, %sign3A_33 : i32
      %sign3A_35 = arith.extui %sign3A_34 : i1 to i32
      %sign3A_36 = arith.subi %sign3A_32, %sign3A_35 : i32
      %sign3A_37 = arith.constant 0 : i32
      %sign3A_38 = arith.cmpi sgt, %jit3A, %sign3A_37 : i32
      %sign3A_39 = arith.extui %sign3A_38 : i1 to i32
      %sign3A_40 = arith.constant 0 : i32
      %sign3A_41 = arith.cmpi slt, %jit3A, %sign3A_40 : i32
      %sign3A_42 = arith.extui %sign3A_41 : i1 to i32
      %sign3A_43 = arith.subi %sign3A_39, %sign3A_42 : i32
      %ne3A = arith.cmpi ne, %sign3A_36, %sign3A_43 : i32
      %rem3A = arith.remsi %scan3A_29, %jit3A : i32
      %ne3A_44 = arith.constant 0 : i32
      %ne3A_45 = arith.cmpi ne, %rem3A, %ne3A_44 : i32
      %and3A = arith.andi %ne3A, %ne3A_45 : i1
      %sub3A = arith.constant 1 : i32
      %sub3A_46 = arith.subi %div3A, %sub3A : i32
      %select_n3A = arith.select %and3A, %sub3A_46, %div3A : i32
      %jit3A_47 = arith.constant 8 : i32
      %eq3A = arith.constant 0 : i32
      %eq3A_48 = arith.cmpi eq, %jit3A_47, %eq3A : i32
      %jit3A_49 = arith.constant 1 : i32
      %select_n3A_50 = arith.select %eq3A_48, %jit3A_49, %jit3A_47 : i32
      %rem3A_51 = arith.remsi %scan3A_29, %select_n3A_50 : i32
      %ne3A_52 = arith.constant 0 : i32
      %ne3A_53 = arith.cmpi ne, %rem3A_51, %ne3A_52 : i32
      %lt3A = arith.constant 0 : i32
      %lt3A_54 = arith.cmpi slt, %rem3A_51, %lt3A : i32
      %lt3A_55 = arith.constant 0 : i32
      %lt3A_56 = arith.cmpi slt, %select_n3A_50, %lt3A_55 : i32
      %ne3A_57 = arith.xori %lt3A_54, %lt3A_56 : i1
      %and3A_58 = arith.andi %ne3A_57, %ne3A_53 : i1
      %add3A_59 = arith.addi %rem3A_51, %select_n3A_50 : i32
      %select_n3A_60 = arith.select %and3A_58, %add3A_59, %rem3A_51 : i32
      %mul3A_61 = arith.constant 16 : i32
      %mul3A_62 = arith.muli %select_n3A_60, %mul3A_61 : i32
      %broadcast_in_dim3A = arith.constant 0.000000e+00 : f32
      %broadcast_in_dim3A_63 = vector.broadcast %broadcast_in_dim3A : f32 to vector<16xf32>
      %swap3A = arith.index_cast %select_n3A : i32 to index
      %swap3A_64 = arith.index_cast %mul3A_62 : i32 to index
      %swap3A_65 = tpu.vector_load %arg9[%swap3A, %swap3A_64] {strides = array<i32>} : memref<128x128xf32, #tpu.memory_space<vmem>>, vector<1x16xf32>,
      %swap3A_66 = vector.shape_cast %swap3A_65 : vector<1x16xf32> to vector<16xf32>
      %swap3A_67 = vector.shape_cast %broadcast_in_dim3A_63 : vector<16xf32> to vector<1x16xf32>
      tpu.vector_store %arg9[%swap3A, %swap3A_64], %swap3A_67 {strides = array<i32>} : memref<128x128xf32, #tpu.memory_space<vmem>>, vector<1x16xf32>,
      %scan3A_68 = arith.constant 0 : i32
      scf.yield %scan3A_68 : i32
    }
    %scan3A_6 = arith.constant 1024 : i32
    %scan3A_7 = arith.constant 0 : i32
    %scan3A_8 = arith.constant 0 : i32
    %scan3A_9 = arith.constant 5 : i32
    %scan3A_10 = arith.addi %scan3A_8, %scan3A_9 : i32
    %scan3A_11 = arith.constant 1 : i32
    %scan3A_12 = scf.for %scan3A_29 = %scan3A_8 to %scan3A_10 step %scan3A_11 iter_args(%scan3A_30 = %scan3A_7) -> (i32)  : i32 {
      %mul3A_31 = arith.constant 640 : i32
      %mul3A_32 = arith.muli %arg1, %mul3A_31 : i32
      %mul3A_33 = arith.constant 128 : i32
      %mul3A_34 = arith.muli %scan3A_29, %mul3A_33 : i32
      %add3A_35 = arith.addi %mul3A_32, %mul3A_34 : i32
      "tpu.region"() ({
        %run_scoped3A = tpu.sem_alloc : memref<!tpu.dma_semaphore, #tpu.memory_space<semaphore_mem>>
        %dma_start3A = arith.constant 0 : i32
        %dma_start3A_37 = tpu.memref_slice %arg10[%add3A_35, %dma_start3A] : memref<10240x128xf32, #tpu.memory_space<vmem_shared>> -> memref<128x128xf32, #tpu.memory_space<vmem_shared>>
        %dma_start3A_38 = arith.constant 0 : i32
        %dma_start3A_39 = tpu.memref_slice %arg10[%add3A_35, %dma_start3A_38] : memref<10240x128xf32, #tpu.memory_space<vmem_shared>> -> memref<128x128xf32, #tpu.memory_space<vmem_shared>>
        tpu.enqueue_dma source(%arg9 : memref<128x128xf32, #tpu.memory_space<vmem>>) target(%dma_start3A_39 : memref<128x128xf32, #tpu.memory_space<vmem_shared>>) target_semaphore(%run_scoped3A : memref<!tpu.dma_semaphore, #tpu.memory_space<semaphore_mem>>)
        %dma_wait3A = arith.constant 0 : i32
        %dma_wait3A_40 = tpu.memref_slice %arg10[%add3A_35, %dma_wait3A] : memref<10240x128xf32, #tpu.memory_space<vmem_shared>> -> memref<128x128xf32, #tpu.memory_space<vmem_shared>>
        %dma_wait3A_41 = arith.constant 0 : i32
        %dma_wait3A_42 = tpu.memref_slice %arg10[%add3A_35, %dma_wait3A_41] : memref<10240x128xf32, #tpu.memory_space<vmem_shared>> -> memref<128x128xf32, #tpu.memory_space<vmem_shared>>
        tpu.wait_dma2 semaphore(%run_scoped3A : memref<!tpu.dma_semaphore, #tpu.memory_space<semaphore_mem>>) src(%arg9 : memref<128x128xf32, #tpu.memory_space<vmem>>) dst(%dma_wait3A_42 : memref<128x128xf32, #tpu.memory_space<vmem_shared>>)
        tpu.yield
      }) : () -> ()
      %scan3A_36 = arith.constant 0 : i32
      scf.yield %scan3A_36 : i32
    }
    %scan3A_13 = arith.constant 5 : i32
    %barrier3A = arith.constant 0 : index
    tpu.barrier barrier_id(%barrier3A)
    %scan3A_14 = arith.constant 0 : i32
    %scan3A_15 = arith.constant 0 : i32
    %scan3A_16 = arith.constant 80 : i32
    %scan3A_17 = arith.addi %scan3A_15, %scan3A_16 : i32
    %scan3A_18 = arith.constant 1 : i32
    %scan3A_19 = scf.for %scan3A_29 = %scan3A_15 to %scan3A_17 step %scan3A_18 iter_args(%scan3A_30 = %scan3A_14) -> (i32)  : i32 {
      %mul3A_31 = arith.constant 10240 : i32
      %mul3A_32 = arith.muli %add3A, %mul3A_31 : i32
      %mul3A_33 = arith.constant 128 : i32
      %mul3A_34 = arith.muli %scan3A_29, %mul3A_33 : i32
      %add3A_35 = arith.addi %mul3A_32, %mul3A_34 : i32
      "tpu.region"() ({
        %run_scoped3A = tpu.sem_alloc : memref<!tpu.dma_semaphore, #tpu.memory_space<semaphore_mem>>
        %dma_start3A_41 = tpu.memref_slice %arg3[%add3A_35] : memref<327680xi32, #tpu.memory_space<hbm>> -> memref<128xi32, #tpu.memory_space<hbm>>
        %dma_start3A_42 = tpu.memref_slice %arg3[%add3A_35] : memref<327680xi32, #tpu.memory_space<hbm>> -> memref<128xi32, #tpu.memory_space<hbm>>
        tpu.enqueue_dma source(%dma_start3A_42 : memref<128xi32, #tpu.memory_space<hbm>>) target(%arg6 : memref<128xi32, #tpu.memory_space<vmem>>) target_semaphore(%run_scoped3A : memref<!tpu.dma_semaphore, #tpu.memory_space<semaphore_mem>>)
        %dma_wait3A_43 = tpu.memref_slice %arg3[%add3A_35] : memref<327680xi32, #tpu.memory_space<hbm>> -> memref<128xi32, #tpu.memory_space<hbm>>
        %dma_wait3A_44 = tpu.memref_slice %arg3[%add3A_35] : memref<327680xi32, #tpu.memory_space<hbm>> -> memref<128xi32, #tpu.memory_space<hbm>>
        tpu.wait_dma2 semaphore(%run_scoped3A : memref<!tpu.dma_semaphore, #tpu.memory_space<semaphore_mem>>) src(%dma_wait3A_44 : memref<128xi32, #tpu.memory_space<hbm>>) dst(%arg6 : memref<128xi32, #tpu.memory_space<vmem>>)
        tpu.yield
      }) : () -> ()
      %dma_start3A = arith.constant 0 : i32
      %dma_start3A_36 = arith.constant 0 : i32
      %dma_start3A_37 = tpu.memref_slice %arg2[%dma_start3A, %dma_start3A_36] : memref<10240x128xf32, #tpu.memory_space<hbm>> -> memref<10240x128xf32, #tpu.memory_space<hbm>>
      tpu.enqueue_indirect_dma source(%dma_start3A_37 : memref<10240x128xf32, #tpu.memory_space<hbm>>) target(%arg8 : memref<128x128xf32, #tpu.memory_space<vmem>>) offsets(%arg6 : memref<128xi32, #tpu.memory_space<vmem>>) semaphore(%arg11 : memref<!tpu.dma_semaphore, #tpu.memory_space<semaphore_mem>>)
      "tpu.region"() ({
        %run_scoped3A = tpu.sem_alloc : memref<!tpu.dma_semaphore, #tpu.memory_space<semaphore_mem>>
        %dma_start3A_41 = tpu.memref_slice %arg4[%add3A_35] : memref<327680xi32, #tpu.memory_space<hbm>> -> memref<128xi32, #tpu.memory_space<hbm>>
        %dma_start3A_42 = tpu.memref_slice %arg4[%add3A_35] : memref<327680xi32, #tpu.memory_space<hbm>> -> memref<128xi32, #tpu.memory_space<hbm>>
        tpu.enqueue_dma source(%dma_start3A_42 : memref<128xi32, #tpu.memory_space<hbm>>) target(%arg7 : memref<128xi32, #tpu.memory_space<vmem>>) target_semaphore(%run_scoped3A : memref<!tpu.dma_semaphore, #tpu.memory_space<semaphore_mem>>)
        %dma_wait3A_43 = tpu.memref_slice %arg4[%add3A_35] : memref<327680xi32, #tpu.memory_space<hbm>> -> memref<128xi32, #tpu.memory_space<hbm>>
        %dma_wait3A_44 = tpu.memref_slice %arg4[%add3A_35] : memref<327680xi32, #tpu.memory_space<hbm>> -> memref<128xi32, #tpu.memory_space<hbm>>
        tpu.wait_dma2 semaphore(%run_scoped3A : memref<!tpu.dma_semaphore, #tpu.memory_space<semaphore_mem>>) src(%dma_wait3A_44 : memref<128xi32, #tpu.memory_space<hbm>>) dst(%arg7 : memref<128xi32, #tpu.memory_space<vmem>>)
        tpu.yield
      }) : () -> ()
      %dma_wait3A = arith.constant 0 : i32
      %dma_wait3A_38 = arith.constant 0 : i32
      %dma_wait3A_39 = tpu.memref_slice %arg2[%dma_wait3A, %dma_wait3A_38] : memref<10240x128xf32, #tpu.memory_space<hbm>> -> memref<10240x128xf32, #tpu.memory_space<hbm>>
      tpu.wait_indirect_dma semaphore(%arg11 : memref<!tpu.dma_semaphore, #tpu.memory_space<semaphore_mem>>) src(%dma_wait3A_39 : memref<10240x128xf32, #tpu.memory_space<hbm>>) dst(%arg8 : memref<128x128xf32, #tpu.memory_space<vmem>>)
      "tpu.region"() ({
        %run_scoped3A = tpu.sem_alloc : memref<!tpu.dma_semaphore, #tpu.memory_space<semaphore_mem>>
        %dma_start3A_41 = arith.constant 0 : i32
        %dma_start3A_42 = arith.constant 0 : i32
        %dma_start3A_43 = tpu.memref_slice %arg10[%dma_start3A_41, %dma_start3A_42] : memref<10240x128xf32, #tpu.memory_space<vmem_shared>> -> memref<10240x128xf32, #tpu.memory_space<vmem_shared>>
        tpu.enqueue_indirect_dma source(%arg8 : memref<128x128xf32, #tpu.memory_space<vmem>>) target(%dma_start3A_43 : memref<10240x128xf32, #tpu.memory_space<vmem_shared>>) offsets(%arg7 : memref<128xi32, #tpu.memory_space<vmem>>) semaphore(%run_scoped3A : memref<!tpu.dma_semaphore, #tpu.memory_space<semaphore_mem>>) {add = true}
        %dma_wait3A_44 = arith.constant 0 : i32
        %dma_wait3A_45 = arith.constant 0 : i32
        %dma_wait3A_46 = tpu.memref_slice %arg10[%dma_wait3A_44, %dma_wait3A_45] : memref<10240x128xf32, #tpu.memory_space<vmem_shared>> -> memref<10240x128xf32, #tpu.memory_space<vmem_shared>>
        tpu.wait_indirect_dma semaphore(%run_scoped3A : memref<!tpu.dma_semaphore, #tpu.memory_space<semaphore_mem>>) src(%arg8 : memref<128x128xf32, #tpu.memory_space<vmem>>) dst(%dma_wait3A_46 : memref<10240x128xf32, #tpu.memory_space<vmem_shared>>)
        tpu.yield
      }) : () -> ()
      %scan3A_40 = arith.constant 0 : i32
      scf.yield %scan3A_40 : i32
    }
    %scan3A_20 = arith.constant 80 : i32
    %barrier3A_21 = arith.constant 0 : index
    tpu.barrier barrier_id(%barrier3A_21)
    %scan3A_22 = arith.constant 0 : i32
    %scan3A_23 = arith.constant 0 : i32
    %scan3A_24 = arith.constant 5 : i32
    %scan3A_25 = arith.addi %scan3A_23, %scan3A_24 : i32
    %scan3A_26 = arith.constant 1 : i32
    %scan3A_27 = scf.for %scan3A_29 = %scan3A_23 to %scan3A_25 step %scan3A_26 iter_args(%scan3A_30 = %scan3A_22) -> (i32)  : i32 {
      %mul3A_31 = arith.constant 640 : i32
      %mul3A_32 = arith.muli %arg1, %mul3A_31 : i32
      %mul3A_33 = arith.constant 128 : i32
      %mul3A_34 = arith.muli %scan3A_29, %mul3A_33 : i32
      %add3A_35 = arith.addi %mul3A_32, %mul3A_34 : i32
      "tpu.region"() ({
        %run_scoped3A = tpu.sem_alloc : memref<!tpu.dma_semaphore, #tpu.memory_space<semaphore_mem>>
        %dma_start3A = arith.constant 0 : i32
        %dma_start3A_37 = tpu.memref_slice %arg10[%add3A_35, %dma_start3A] : memref<10240x128xf32, #tpu.memory_space<vmem_shared>> -> memref<128x128xf32, #tpu.memory_space<vmem_shared>>
        %dma_start3A_38 = arith.constant 0 : i32
        %dma_start3A_39 = tpu.memref_slice %arg10[%add3A_35, %dma_start3A_38] : memref<10240x128xf32, #tpu.memory_space<vmem_shared>> -> memref<128x128xf32, #tpu.memory_space<vmem_shared>>
        tpu.enqueue_dma source(%dma_start3A_39 : memref<128x128xf32, #tpu.memory_space<vmem_shared>>) target(%arg9 : memref<128x128xf32, #tpu.memory_space<vmem>>) target_semaphore(%run_scoped3A : memref<!tpu.dma_semaphore, #tpu.memory_space<semaphore_mem>>)
        %dma_wait3A = arith.constant 0 : i32
        %dma_wait3A_40 = tpu.memref_slice %arg10[%add3A_35, %dma_wait3A] : memref<10240x128xf32, #tpu.memory_space<vmem_shared>> -> memref<128x128xf32, #tpu.memory_space<vmem_shared>>
        %dma_wait3A_41 = arith.constant 0 : i32
        %dma_wait3A_42 = tpu.memref_slice %arg10[%add3A_35, %dma_wait3A_41] : memref<10240x128xf32, #tpu.memory_space<vmem_shared>> -> memref<128x128xf32, #tpu.memory_space<vmem_shared>>
        tpu.wait_dma2 semaphore(%run_scoped3A : memref<!tpu.dma_semaphore, #tpu.memory_space<semaphore_mem>>) src(%dma_wait3A_42 : memref<128x128xf32, #tpu.memory_space<vmem_shared>>) dst(%arg9 : memref<128x128xf32, #tpu.memory_space<vmem>>)
        tpu.yield
      }) : () -> ()
      "tpu.region"() ({
        %run_scoped3A = tpu.sem_alloc : memref<!tpu.dma_semaphore, #tpu.memory_space<semaphore_mem>>
        %dma_start3A = arith.constant 0 : i32
        %dma_start3A_37 = tpu.memref_slice %arg5[%arg0, %add3A_35, %dma_start3A] : memref<2x10240x128xf32, #tpu.memory_space<hbm>> -> memref<1x128x128xf32, #tpu.memory_space<hbm>>
        %dma_start3A_38 = tpu.memref_squeeze %dma_start3A_37 : memref<1x128x128xf32, #tpu.memory_space<hbm>> -> memref<128x128xf32, #tpu.memory_space<hbm>>
        %dma_start3A_39 = arith.constant 0 : i32
        %dma_start3A_40 = tpu.memref_slice %arg5[%arg0, %add3A_35, %dma_start3A_39] : memref<2x10240x128xf32, #tpu.memory_space<hbm>> -> memref<1x128x128xf32, #tpu.memory_space<hbm>>
        %dma_start3A_41 = tpu.memref_squeeze %dma_start3A_40 : memref<1x128x128xf32, #tpu.memory_space<hbm>> -> memref<128x128xf32, #tpu.memory_space<hbm>>
        tpu.enqueue_dma source(%arg9 : memref<128x128xf32, #tpu.memory_space<vmem>>) target(%dma_start3A_41 : memref<128x128xf32, #tpu.memory_space<hbm>>) target_semaphore(%run_scoped3A : memref<!tpu.dma_semaphore, #tpu.memory_space<semaphore_mem>>)
        %dma_wait3A = arith.constant 0 : i32
        %dma_wait3A_42 = tpu.memref_slice %arg5[%arg0, %add3A_35, %dma_wait3A] : memref<2x10240x128xf32, #tpu.memory_space<hbm>> -> memref<1x128x128xf32, #tpu.memory_space<hbm>>
        %dma_wait3A_43 = tpu.memref_squeeze %dma_wait3A_42 : memref<1x128x128xf32, #tpu.memory_space<hbm>> -> memref<128x128xf32, #tpu.memory_space<hbm>>
        %dma_wait3A_44 = arith.constant 0 : i32
        %dma_wait3A_45 = tpu.memref_slice %arg5[%arg0, %add3A_35, %dma_wait3A_44] : memref<2x10240x128xf32, #tpu.memory_space<hbm>> -> memref<1x128x128xf32, #tpu.memory_space<hbm>>
        %dma_wait3A_46 = tpu.memref_squeeze %dma_wait3A_45 : memref<1x128x128xf32, #tpu.memory_space<hbm>> -> memref<128x128xf32, #tpu.memory_space<hbm>>
        tpu.wait_dma2 semaphore(%run_scoped3A : memref<!tpu.dma_semaphore, #tpu.memory_space<semaphore_mem>>) src(%arg9 : memref<128x128xf32, #tpu.memory_space<vmem>>) dst(%dma_wait3A_46 : memref<128x128xf32, #tpu.memory_space<hbm>>)
        tpu.yield
      }) : () -> ()
      %scan3A_36 = arith.constant 0 : i32
      scf.yield %scan3A_36 : i32
    }
    %scan3A_28 = arith.constant 5 : i32
    return
  }
}

#map = affine_map<(d0, d1) -> (0)>
#map1 = affine_map<(d0, d1) -> (0, 0)>
module attributes {stable_mosaic.version = 14 : i64} {
  func.func @_hist(%arg0: i32, %arg1: i32, %arg2: memref<327680xi32, #tpu.memory_space<hbm>>, %arg3: memref<327680xi32, #tpu.memory_space<hbm>>, %arg4: memref<2x10240xf32, #tpu.memory_space<hbm>>, %arg5: memref<128xi32, #tpu.memory_space<vmem>>, %arg6: memref<128xf32, #tpu.memory_space<vmem>>, %arg7: memref<640xf32, #tpu.memory_space<vmem>>, %arg8: memref<10240xf32, #tpu.memory_space<vmem_shared>>) attributes {dimension_semantics = [#tpu.dimension_semantics<core_parallel>, #tpu.dimension_semantics<subcore_parallel>], iteration_bounds = array<i64: 2, 16>, scalar_prefetch = 0 : i64, scratch_operands = 4 : i64, tpu.core_type = #tpu.core_type<sc_vector_subcore>, window_params = [{transform_indices = #map}, {transform_indices = #map}, {transform_indices = #map1}]} {
    %scan3A = arith.constant 0 : i32
    %scan3A_0 = arith.constant 0 : i32
    %scan3A_1 = arith.constant 8 : i32
    %scan3A_2 = arith.addi %scan3A_0, %scan3A_1 : i32
    %scan3A_3 = arith.constant 1 : i32
    %scan3A_4 = scf.for %scan3A_26 = %scan3A_0 to %scan3A_2 step %scan3A_3 iter_args(%scan3A_27 = %scan3A) -> (i32)  : i32 {
      %broadcast_in_dim3A = arith.constant 1.000000e+00 : f32
      %broadcast_in_dim3A_28 = vector.broadcast %broadcast_in_dim3A : f32 to vector<16xf32>
      %mul3A_29 = arith.constant 16 : i32
      %mul3A_30 = arith.muli %scan3A_26, %mul3A_29 : i32
      %swap3A = arith.index_cast %mul3A_30 : i32 to index
      %swap3A_31 = tpu.vector_load %arg6[%swap3A] {strides = array<i32>} : memref<128xf32, #tpu.memory_space<vmem>>, vector<16xf32>,
      %swap3A_32 = vector.shape_cast %swap3A_31 : vector<16xf32> to vector<16xf32>
      %swap3A_33 = vector.shape_cast %broadcast_in_dim3A_28 : vector<16xf32> to vector<16xf32>
      tpu.vector_store %arg6[%swap3A], %swap3A_33 {strides = array<i32>} : memref<128xf32, #tpu.memory_space<vmem>>, vector<16xf32>,
      %scan3A_34 = arith.constant 0 : i32
      scf.yield %scan3A_34 : i32
    }
    %scan3A_5 = arith.constant 8 : i32
    %scan3A_6 = arith.constant 0 : i32
    %scan3A_7 = arith.constant 0 : i32
    %scan3A_8 = arith.constant 40 : i32
    %scan3A_9 = arith.addi %scan3A_7, %scan3A_8 : i32
    %scan3A_10 = arith.constant 1 : i32
    %scan3A_11 = scf.for %scan3A_26 = %scan3A_7 to %scan3A_9 step %scan3A_10 iter_args(%scan3A_27 = %scan3A_6) -> (i32)  : i32 {
      %broadcast_in_dim3A = arith.constant 0.000000e+00 : f32
      %broadcast_in_dim3A_28 = vector.broadcast %broadcast_in_dim3A : f32 to vector<16xf32>
      %mul3A_29 = arith.constant 16 : i32
      %mul3A_30 = arith.muli %scan3A_26, %mul3A_29 : i32
      %swap3A = arith.index_cast %mul3A_30 : i32 to index
      %swap3A_31 = tpu.vector_load %arg7[%swap3A] {strides = array<i32>} : memref<640xf32, #tpu.memory_space<vmem>>, vector<16xf32>,
      %swap3A_32 = vector.shape_cast %swap3A_31 : vector<16xf32> to vector<16xf32>
      %swap3A_33 = vector.shape_cast %broadcast_in_dim3A_28 : vector<16xf32> to vector<16xf32>
      tpu.vector_store %arg7[%swap3A], %swap3A_33 {strides = array<i32>} : memref<640xf32, #tpu.memory_space<vmem>>, vector<16xf32>,
      %scan3A_34 = arith.constant 0 : i32
      scf.yield %scan3A_34 : i32
    }
    %scan3A_12 = arith.constant 40 : i32
    %mul3A = arith.constant 640 : i32
    %mul3A_13 = arith.muli %arg1, %mul3A : i32
    "tpu.region"() ({
      %run_scoped3A = tpu.sem_alloc : memref<!tpu.dma_semaphore, #tpu.memory_space<semaphore_mem>>
      %dma_start3A = tpu.memref_slice %arg8[%mul3A_13] : memref<10240xf32, #tpu.memory_space<vmem_shared>> -> memref<640xf32, #tpu.memory_space<vmem_shared>>
      %dma_start3A_26 = tpu.memref_slice %arg8[%mul3A_13] : memref<10240xf32, #tpu.memory_space<vmem_shared>> -> memref<640xf32, #tpu.memory_space<vmem_shared>>
      tpu.enqueue_dma source(%arg7 : memref<640xf32, #tpu.memory_space<vmem>>) target(%dma_start3A_26 : memref<640xf32, #tpu.memory_space<vmem_shared>>) target_semaphore(%run_scoped3A : memref<!tpu.dma_semaphore, #tpu.memory_space<semaphore_mem>>)
      %dma_wait3A = tpu.memref_slice %arg8[%mul3A_13] : memref<10240xf32, #tpu.memory_space<vmem_shared>> -> memref<640xf32, #tpu.memory_space<vmem_shared>>
      %dma_wait3A_27 = tpu.memref_slice %arg8[%mul3A_13] : memref<10240xf32, #tpu.memory_space<vmem_shared>> -> memref<640xf32, #tpu.memory_space<vmem_shared>>
      tpu.wait_dma2 semaphore(%run_scoped3A : memref<!tpu.dma_semaphore, #tpu.memory_space<semaphore_mem>>) src(%arg7 : memref<640xf32, #tpu.memory_space<vmem>>) dst(%dma_wait3A_27 : memref<640xf32, #tpu.memory_space<vmem_shared>>)
      tpu.yield
    }) : () -> ()
    %barrier3A = arith.constant 0 : index
    tpu.barrier barrier_id(%barrier3A)
    %scan3A_14 = arith.constant 0 : i32
    %scan3A_15 = arith.constant 0 : i32
    %scan3A_16 = arith.constant 160 : i32
    %scan3A_17 = arith.addi %scan3A_15, %scan3A_16 : i32
    %scan3A_18 = arith.constant 1 : i32
    %scan3A_19 = scf.for %scan3A_26 = %scan3A_15 to %scan3A_17 step %scan3A_18 iter_args(%scan3A_27 = %scan3A_14) -> (i32)  : i32 {
      %mul3A_28 = arith.constant 20480 : i32
      %mul3A_29 = arith.muli %arg1, %mul3A_28 : i32
      %mul3A_30 = arith.constant 128 : i32
      %mul3A_31 = arith.muli %scan3A_26, %mul3A_30 : i32
      %add3A = arith.addi %mul3A_29, %mul3A_31 : i32
      %eq3A = arith.constant 0 : i32
      %eq3A_32 = arith.cmpi eq, %arg0, %eq3A : i32
      %convert_element_type3A = arith.extui %eq3A_32 : i1 to i32
      %cond3A = arith.constant 0 : i32
      %cond3A_33 = arith.cmpi ne, %convert_element_type3A, %cond3A : i32
      scf.if %cond3A_33 {
        "tpu.region"() ({
          %run_scoped3A = tpu.sem_alloc : memref<!tpu.dma_semaphore, #tpu.memory_space<semaphore_mem>>
          %dma_start3A = tpu.memref_slice %arg2[%add3A] : memref<327680xi32, #tpu.memory_space<hbm>> -> memref<128xi32, #tpu.memory_space<hbm>>
          %dma_start3A_40 = tpu.memref_slice %arg2[%add3A] : memref<327680xi32, #tpu.memory_space<hbm>> -> memref<128xi32, #tpu.memory_space<hbm>>
          tpu.enqueue_dma source(%dma_start3A_40 : memref<128xi32, #tpu.memory_space<hbm>>) target(%arg5 : memref<128xi32, #tpu.memory_space<vmem>>) target_semaphore(%run_scoped3A : memref<!tpu.dma_semaphore, #tpu.memory_space<semaphore_mem>>)
          %dma_wait3A = tpu.memref_slice %arg2[%add3A] : memref<327680xi32, #tpu.memory_space<hbm>> -> memref<128xi32, #tpu.memory_space<hbm>>
          %dma_wait3A_41 = tpu.memref_slice %arg2[%add3A] : memref<327680xi32, #tpu.memory_space<hbm>> -> memref<128xi32, #tpu.memory_space<hbm>>
          tpu.wait_dma2 semaphore(%run_scoped3A : memref<!tpu.dma_semaphore, #tpu.memory_space<semaphore_mem>>) src(%dma_wait3A_41 : memref<128xi32, #tpu.memory_space<hbm>>) dst(%arg5 : memref<128xi32, #tpu.memory_space<vmem>>)
          tpu.yield
        }) : () -> ()
      } else {
      }
      %eq3A_34 = arith.constant 1 : i32
      %eq3A_35 = arith.cmpi eq, %arg0, %eq3A_34 : i32
      %convert_element_type3A_36 = arith.extui %eq3A_35 : i1 to i32
      %cond3A_37 = arith.constant 0 : i32
      %cond3A_38 = arith.cmpi ne, %convert_element_type3A_36, %cond3A_37 : i32
      scf.if %cond3A_38 {
        "tpu.region"() ({
          %run_scoped3A = tpu.sem_alloc : memref<!tpu.dma_semaphore, #tpu.memory_space<semaphore_mem>>
          %dma_start3A = tpu.memref_slice %arg3[%add3A] : memref<327680xi32, #tpu.memory_space<hbm>> -> memref<128xi32, #tpu.memory_space<hbm>>
          %dma_start3A_40 = tpu.memref_slice %arg3[%add3A] : memref<327680xi32, #tpu.memory_space<hbm>> -> memref<128xi32, #tpu.memory_space<hbm>>
          tpu.enqueue_dma source(%dma_start3A_40 : memref<128xi32, #tpu.memory_space<hbm>>) target(%arg5 : memref<128xi32, #tpu.memory_space<vmem>>) target_semaphore(%run_scoped3A : memref<!tpu.dma_semaphore, #tpu.memory_space<semaphore_mem>>)
          %dma_wait3A = tpu.memref_slice %arg3[%add3A] : memref<327680xi32, #tpu.memory_space<hbm>> -> memref<128xi32, #tpu.memory_space<hbm>>
          %dma_wait3A_41 = tpu.memref_slice %arg3[%add3A] : memref<327680xi32, #tpu.memory_space<hbm>> -> memref<128xi32, #tpu.memory_space<hbm>>
          tpu.wait_dma2 semaphore(%run_scoped3A : memref<!tpu.dma_semaphore, #tpu.memory_space<semaphore_mem>>) src(%dma_wait3A_41 : memref<128xi32, #tpu.memory_space<hbm>>) dst(%arg5 : memref<128xi32, #tpu.memory_space<vmem>>)
          tpu.yield
        }) : () -> ()
      } else {
      }
      "tpu.region"() ({
        %run_scoped3A = tpu.sem_alloc : memref<!tpu.dma_semaphore, #tpu.memory_space<semaphore_mem>>
        %dma_start3A = arith.constant 0 : i32
        %dma_start3A_40 = tpu.memref_slice %arg8[%dma_start3A] : memref<10240xf32, #tpu.memory_space<vmem_shared>> -> memref<10240xf32, #tpu.memory_space<vmem_shared>>
        tpu.enqueue_indirect_dma source(%arg6 : memref<128xf32, #tpu.memory_space<vmem>>) target(%dma_start3A_40 : memref<10240xf32, #tpu.memory_space<vmem_shared>>) offsets(%arg5 : memref<128xi32, #tpu.memory_space<vmem>>) semaphore(%run_scoped3A : memref<!tpu.dma_semaphore, #tpu.memory_space<semaphore_mem>>) {add = true}
        %dma_wait3A = arith.constant 0 : i32
        %dma_wait3A_41 = tpu.memref_slice %arg8[%dma_wait3A] : memref<10240xf32, #tpu.memory_space<vmem_shared>> -> memref<10240xf32, #tpu.memory_space<vmem_shared>>
        tpu.wait_indirect_dma semaphore(%run_scoped3A : memref<!tpu.dma_semaphore, #tpu.memory_space<semaphore_mem>>) src(%arg6 : memref<128xf32, #tpu.memory_space<vmem>>) dst(%dma_wait3A_41 : memref<10240xf32, #tpu.memory_space<vmem_shared>>)
        tpu.yield
      }) : () -> ()
      %scan3A_39 = arith.constant 0 : i32
      scf.yield %scan3A_39 : i32
    }
    %scan3A_20 = arith.constant 160 : i32
    %barrier3A_21 = arith.constant 0 : index
    tpu.barrier barrier_id(%barrier3A_21)
    %mul3A_22 = arith.constant 640 : i32
    %mul3A_23 = arith.muli %arg1, %mul3A_22 : i32
    "tpu.region"() ({
      %run_scoped3A = tpu.sem_alloc : memref<!tpu.dma_semaphore, #tpu.memory_space<semaphore_mem>>
      %dma_start3A = tpu.memref_slice %arg8[%mul3A_23] : memref<10240xf32, #tpu.memory_space<vmem_shared>> -> memref<640xf32, #tpu.memory_space<vmem_shared>>
      %dma_start3A_26 = tpu.memref_slice %arg8[%mul3A_23] : memref<10240xf32, #tpu.memory_space<vmem_shared>> -> memref<640xf32, #tpu.memory_space<vmem_shared>>
      tpu.enqueue_dma source(%dma_start3A_26 : memref<640xf32, #tpu.memory_space<vmem_shared>>) target(%arg7 : memref<640xf32, #tpu.memory_space<vmem>>) target_semaphore(%run_scoped3A : memref<!tpu.dma_semaphore, #tpu.memory_space<semaphore_mem>>)
      %dma_wait3A = tpu.memref_slice %arg8[%mul3A_23] : memref<10240xf32, #tpu.memory_space<vmem_shared>> -> memref<640xf32, #tpu.memory_space<vmem_shared>>
      %dma_wait3A_27 = tpu.memref_slice %arg8[%mul3A_23] : memref<10240xf32, #tpu.memory_space<vmem_shared>> -> memref<640xf32, #tpu.memory_space<vmem_shared>>
      tpu.wait_dma2 semaphore(%run_scoped3A : memref<!tpu.dma_semaphore, #tpu.memory_space<semaphore_mem>>) src(%dma_wait3A_27 : memref<640xf32, #tpu.memory_space<vmem_shared>>) dst(%arg7 : memref<640xf32, #tpu.memory_space<vmem>>)
      tpu.yield
    }) : () -> ()
    %mul3A_24 = arith.constant 640 : i32
    %mul3A_25 = arith.muli %arg1, %mul3A_24 : i32
    "tpu.region"() ({
      %run_scoped3A = tpu.sem_alloc : memref<!tpu.dma_semaphore, #tpu.memory_space<semaphore_mem>>
      %dma_start3A = tpu.memref_slice %arg4[%arg0, %mul3A_25] : memref<2x10240xf32, #tpu.memory_space<hbm>> -> memref<1x640xf32, #tpu.memory_space<hbm>>
      %dma_start3A_26 = tpu.memref_squeeze %dma_start3A : memref<1x640xf32, #tpu.memory_space<hbm>> -> memref<640xf32, #tpu.memory_space<hbm>>
      %dma_start3A_27 = tpu.memref_slice %arg4[%arg0, %mul3A_25] : memref<2x10240xf32, #tpu.memory_space<hbm>> -> memref<1x640xf32, #tpu.memory_space<hbm>>
      %dma_start3A_28 = tpu.memref_squeeze %dma_start3A_27 : memref<1x640xf32, #tpu.memory_space<hbm>> -> memref<640xf32, #tpu.memory_space<hbm>>
      tpu.enqueue_dma source(%arg7 : memref<640xf32, #tpu.memory_space<vmem>>) target(%dma_start3A_28 : memref<640xf32, #tpu.memory_space<hbm>>) target_semaphore(%run_scoped3A : memref<!tpu.dma_semaphore, #tpu.memory_space<semaphore_mem>>)
      %dma_wait3A = tpu.memref_slice %arg4[%arg0, %mul3A_25] : memref<2x10240xf32, #tpu.memory_space<hbm>> -> memref<1x640xf32, #tpu.memory_space<hbm>>
      %dma_wait3A_29 = tpu.memref_squeeze %dma_wait3A : memref<1x640xf32, #tpu.memory_space<hbm>> -> memref<640xf32, #tpu.memory_space<hbm>>
      %dma_wait3A_30 = tpu.memref_slice %arg4[%arg0, %mul3A_25] : memref<2x10240xf32, #tpu.memory_space<hbm>> -> memref<1x640xf32, #tpu.memory_space<hbm>>
      %dma_wait3A_31 = tpu.memref_squeeze %dma_wait3A_30 : memref<1x640xf32, #tpu.memory_space<hbm>> -> memref<640xf32, #tpu.memory_space<hbm>>
      tpu.wait_dma2 semaphore(%run_scoped3A : memref<!tpu.dma_semaphore, #tpu.memory_space<semaphore_mem>>) src(%arg7 : memref<640xf32, #tpu.memory_space<vmem>>) dst(%dma_wait3A_31 : memref<640xf32, #tpu.memory_space<hbm>>)
      tpu.yield
    }) : () -> ()
    return
  }
}

#map = affine_map<(d0, d1) -> (0, 0)>
#map1 = affine_map<(d0, d1) -> (0)>
#map2 = affine_map<(d0, d1) -> (0, 0, 0)>
module attributes {stable_mosaic.version = 14 : i64} {
  func.func @_agg_feat(%arg0: i32, %arg1: i32, %arg2: memref<10240x128xf32, #tpu.memory_space<hbm>>, %arg3: memref<10240x128xf32, #tpu.memory_space<hbm>>, %arg4: memref<327680xi32, #tpu.memory_space<hbm>>, %arg5: memref<327680xi32, #tpu.memory_space<hbm>>, %arg6: memref<2x10240x128xf32, #tpu.memory_space<hbm>>, %arg7: memref<128xi32, #tpu.memory_space<vmem>>, %arg8: memref<128xi32, #tpu.memory_space<vmem>>, %arg9: memref<128x128xf32, #tpu.memory_space<vmem>>, %arg10: memref<128x128xf32, #tpu.memory_space<vmem>>, %arg11: memref<10240x128xf32, #tpu.memory_space<vmem_shared>>, %arg12: memref<!tpu.dma_semaphore, #tpu.memory_space<semaphore_mem>>) attributes {dimension_semantics = [#tpu.dimension_semantics<core_parallel>, #tpu.dimension_semantics<subcore_parallel>], iteration_bounds = array<i64: 2, 16>, scalar_prefetch = 0 : i64, scratch_operands = 6 : i64, tpu.core_type = #tpu.core_type<sc_vector_subcore>, window_params = [{transform_indices = #map}, {transform_indices = #map}, {transform_indices = #map1}, {transform_indices = #map1}, {transform_indices = #map2}]} {
    %scan3A = arith.constant 0 : i32
    %scan3A_0 = arith.constant 0 : i32
    %scan3A_1 = arith.constant 1024 : i32
    %scan3A_2 = arith.addi %scan3A_0, %scan3A_1 : i32
    %scan3A_3 = arith.constant 1 : i32
    %scan3A_4 = scf.for %scan3A_28 = %scan3A_0 to %scan3A_2 step %scan3A_3 iter_args(%scan3A_29 = %scan3A) -> (i32)  : i32 {
      %jit3A = arith.constant 8 : i32
      %div3A = arith.divsi %scan3A_28, %jit3A : i32
      %sign3A = arith.constant 0 : i32
      %sign3A_30 = arith.cmpi sgt, %scan3A_28, %sign3A : i32
      %sign3A_31 = arith.extui %sign3A_30 : i1 to i32
      %sign3A_32 = arith.constant 0 : i32
      %sign3A_33 = arith.cmpi slt, %scan3A_28, %sign3A_32 : i32
      %sign3A_34 = arith.extui %sign3A_33 : i1 to i32
      %sign3A_35 = arith.subi %sign3A_31, %sign3A_34 : i32
      %sign3A_36 = arith.constant 0 : i32
      %sign3A_37 = arith.cmpi sgt, %jit3A, %sign3A_36 : i32
      %sign3A_38 = arith.extui %sign3A_37 : i1 to i32
      %sign3A_39 = arith.constant 0 : i32
      %sign3A_40 = arith.cmpi slt, %jit3A, %sign3A_39 : i32
      %sign3A_41 = arith.extui %sign3A_40 : i1 to i32
      %sign3A_42 = arith.subi %sign3A_38, %sign3A_41 : i32
      %ne3A = arith.cmpi ne, %sign3A_35, %sign3A_42 : i32
      %rem3A = arith.remsi %scan3A_28, %jit3A : i32
      %ne3A_43 = arith.constant 0 : i32
      %ne3A_44 = arith.cmpi ne, %rem3A, %ne3A_43 : i32
      %and3A = arith.andi %ne3A, %ne3A_44 : i1
      %sub3A = arith.constant 1 : i32
      %sub3A_45 = arith.subi %div3A, %sub3A : i32
      %select_n3A = arith.select %and3A, %sub3A_45, %div3A : i32
      %jit3A_46 = arith.constant 8 : i32
      %eq3A = arith.constant 0 : i32
      %eq3A_47 = arith.cmpi eq, %jit3A_46, %eq3A : i32
      %jit3A_48 = arith.constant 1 : i32
      %select_n3A_49 = arith.select %eq3A_47, %jit3A_48, %jit3A_46 : i32
      %rem3A_50 = arith.remsi %scan3A_28, %select_n3A_49 : i32
      %ne3A_51 = arith.constant 0 : i32
      %ne3A_52 = arith.cmpi ne, %rem3A_50, %ne3A_51 : i32
      %lt3A = arith.constant 0 : i32
      %lt3A_53 = arith.cmpi slt, %rem3A_50, %lt3A : i32
      %lt3A_54 = arith.constant 0 : i32
      %lt3A_55 = arith.cmpi slt, %select_n3A_49, %lt3A_54 : i32
      %ne3A_56 = arith.xori %lt3A_53, %lt3A_55 : i1
      %and3A_57 = arith.andi %ne3A_56, %ne3A_52 : i1
      %add3A = arith.addi %rem3A_50, %select_n3A_49 : i32
      %select_n3A_58 = arith.select %and3A_57, %add3A, %rem3A_50 : i32
      %mul3A = arith.constant 16 : i32
      %mul3A_59 = arith.muli %select_n3A_58, %mul3A : i32
      %broadcast_in_dim3A = arith.constant 0.000000e+00 : f32
      %broadcast_in_dim3A_60 = vector.broadcast %broadcast_in_dim3A : f32 to vector<16xf32>
      %swap3A = arith.index_cast %select_n3A : i32 to index
      %swap3A_61 = arith.index_cast %mul3A_59 : i32 to index
      %swap3A_62 = tpu.vector_load %arg10[%swap3A, %swap3A_61] {strides = array<i32>} : memref<128x128xf32, #tpu.memory_space<vmem>>, vector<1x16xf32>,
      %swap3A_63 = vector.shape_cast %swap3A_62 : vector<1x16xf32> to vector<16xf32>
      %swap3A_64 = vector.shape_cast %broadcast_in_dim3A_60 : vector<16xf32> to vector<1x16xf32>
      tpu.vector_store %arg10[%swap3A, %swap3A_61], %swap3A_64 {strides = array<i32>} : memref<128x128xf32, #tpu.memory_space<vmem>>, vector<1x16xf32>,
      %scan3A_65 = arith.constant 0 : i32
      scf.yield %scan3A_65 : i32
    }
    %scan3A_5 = arith.constant 1024 : i32
    %scan3A_6 = arith.constant 0 : i32
    %scan3A_7 = arith.constant 0 : i32
    %scan3A_8 = arith.constant 5 : i32
    %scan3A_9 = arith.addi %scan3A_7, %scan3A_8 : i32
    %scan3A_10 = arith.constant 1 : i32
    %scan3A_11 = scf.for %scan3A_28 = %scan3A_7 to %scan3A_9 step %scan3A_10 iter_args(%scan3A_29 = %scan3A_6) -> (i32)  : i32 {
      %mul3A = arith.constant 640 : i32
      %mul3A_30 = arith.muli %arg1, %mul3A : i32
      %mul3A_31 = arith.constant 128 : i32
      %mul3A_32 = arith.muli %scan3A_28, %mul3A_31 : i32
      %add3A = arith.addi %mul3A_30, %mul3A_32 : i32
      "tpu.region"() ({
        %run_scoped3A = tpu.sem_alloc : memref<!tpu.dma_semaphore, #tpu.memory_space<semaphore_mem>>
        %dma_start3A = arith.constant 0 : i32
        %dma_start3A_34 = tpu.memref_slice %arg11[%add3A, %dma_start3A] : memref<10240x128xf32, #tpu.memory_space<vmem_shared>> -> memref<128x128xf32, #tpu.memory_space<vmem_shared>>
        %dma_start3A_35 = arith.constant 0 : i32
        %dma_start3A_36 = tpu.memref_slice %arg11[%add3A, %dma_start3A_35] : memref<10240x128xf32, #tpu.memory_space<vmem_shared>> -> memref<128x128xf32, #tpu.memory_space<vmem_shared>>
        tpu.enqueue_dma source(%arg10 : memref<128x128xf32, #tpu.memory_space<vmem>>) target(%dma_start3A_36 : memref<128x128xf32, #tpu.memory_space<vmem_shared>>) target_semaphore(%run_scoped3A : memref<!tpu.dma_semaphore, #tpu.memory_space<semaphore_mem>>)
        %dma_wait3A = arith.constant 0 : i32
        %dma_wait3A_37 = tpu.memref_slice %arg11[%add3A, %dma_wait3A] : memref<10240x128xf32, #tpu.memory_space<vmem_shared>> -> memref<128x128xf32, #tpu.memory_space<vmem_shared>>
        %dma_wait3A_38 = arith.constant 0 : i32
        %dma_wait3A_39 = tpu.memref_slice %arg11[%add3A, %dma_wait3A_38] : memref<10240x128xf32, #tpu.memory_space<vmem_shared>> -> memref<128x128xf32, #tpu.memory_space<vmem_shared>>
        tpu.wait_dma2 semaphore(%run_scoped3A : memref<!tpu.dma_semaphore, #tpu.memory_space<semaphore_mem>>) src(%arg10 : memref<128x128xf32, #tpu.memory_space<vmem>>) dst(%dma_wait3A_39 : memref<128x128xf32, #tpu.memory_space<vmem_shared>>)
        tpu.yield
      }) : () -> ()
      %scan3A_33 = arith.constant 0 : i32
      scf.yield %scan3A_33 : i32
    }
    %scan3A_12 = arith.constant 5 : i32
    %barrier3A = arith.constant 0 : index
    tpu.barrier barrier_id(%barrier3A)
    %scan3A_13 = arith.constant 0 : i32
    %scan3A_14 = arith.constant 0 : i32
    %scan3A_15 = arith.constant 160 : i32
    %scan3A_16 = arith.addi %scan3A_14, %scan3A_15 : i32
    %scan3A_17 = arith.constant 1 : i32
    %scan3A_18 = scf.for %scan3A_28 = %scan3A_14 to %scan3A_16 step %scan3A_17 iter_args(%scan3A_29 = %scan3A_13) -> (i32)  : i32 {
      %mul3A = arith.constant 20480 : i32
      %mul3A_30 = arith.muli %arg1, %mul3A : i32
      %mul3A_31 = arith.constant 128 : i32
      %mul3A_32 = arith.muli %scan3A_28, %mul3A_31 : i32
      %add3A = arith.addi %mul3A_30, %mul3A_32 : i32
      "tpu.region"() ({
        %run_scoped3A = tpu.sem_alloc : memref<!tpu.dma_semaphore, #tpu.memory_space<semaphore_mem>>
        %dma_start3A = tpu.memref_slice %arg4[%add3A] : memref<327680xi32, #tpu.memory_space<hbm>> -> memref<128xi32, #tpu.memory_space<hbm>>
        %dma_start3A_41 = tpu.memref_slice %arg4[%add3A] : memref<327680xi32, #tpu.memory_space<hbm>> -> memref<128xi32, #tpu.memory_space<hbm>>
        tpu.enqueue_dma source(%dma_start3A_41 : memref<128xi32, #tpu.memory_space<hbm>>) target(%arg7 : memref<128xi32, #tpu.memory_space<vmem>>) target_semaphore(%run_scoped3A : memref<!tpu.dma_semaphore, #tpu.memory_space<semaphore_mem>>)
        %dma_wait3A = tpu.memref_slice %arg4[%add3A] : memref<327680xi32, #tpu.memory_space<hbm>> -> memref<128xi32, #tpu.memory_space<hbm>>
        %dma_wait3A_42 = tpu.memref_slice %arg4[%add3A] : memref<327680xi32, #tpu.memory_space<hbm>> -> memref<128xi32, #tpu.memory_space<hbm>>
        tpu.wait_dma2 semaphore(%run_scoped3A : memref<!tpu.dma_semaphore, #tpu.memory_space<semaphore_mem>>) src(%dma_wait3A_42 : memref<128xi32, #tpu.memory_space<hbm>>) dst(%arg7 : memref<128xi32, #tpu.memory_space<vmem>>)
        tpu.yield
      }) : () -> ()
      %eq3A = arith.constant 0 : i32
      %eq3A_33 = arith.cmpi eq, %arg0, %eq3A : i32
      %convert_element_type3A = arith.extui %eq3A_33 : i1 to i32
      %cond3A = arith.constant 0 : i32
      %cond3A_34 = arith.cmpi ne, %convert_element_type3A, %cond3A : i32
      scf.if %cond3A_34 {
        %dma_start3A = arith.constant 0 : i32
        %dma_start3A_41 = arith.constant 0 : i32
        %dma_start3A_42 = tpu.memref_slice %arg2[%dma_start3A, %dma_start3A_41] : memref<10240x128xf32, #tpu.memory_space<hbm>> -> memref<10240x128xf32, #tpu.memory_space<hbm>>
        tpu.enqueue_indirect_dma source(%dma_start3A_42 : memref<10240x128xf32, #tpu.memory_space<hbm>>) target(%arg9 : memref<128x128xf32, #tpu.memory_space<vmem>>) offsets(%arg7 : memref<128xi32, #tpu.memory_space<vmem>>) semaphore(%arg12 : memref<!tpu.dma_semaphore, #tpu.memory_space<semaphore_mem>>)
        %dma_wait3A = arith.constant 0 : i32
        %dma_wait3A_43 = arith.constant 0 : i32
        %dma_wait3A_44 = tpu.memref_slice %arg2[%dma_wait3A, %dma_wait3A_43] : memref<10240x128xf32, #tpu.memory_space<hbm>> -> memref<10240x128xf32, #tpu.memory_space<hbm>>
        tpu.wait_indirect_dma semaphore(%arg12 : memref<!tpu.dma_semaphore, #tpu.memory_space<semaphore_mem>>) src(%dma_wait3A_44 : memref<10240x128xf32, #tpu.memory_space<hbm>>) dst(%arg9 : memref<128x128xf32, #tpu.memory_space<vmem>>)
      } else {
      }
      %eq3A_35 = arith.constant 1 : i32
      %eq3A_36 = arith.cmpi eq, %arg0, %eq3A_35 : i32
      %convert_element_type3A_37 = arith.extui %eq3A_36 : i1 to i32
      %cond3A_38 = arith.constant 0 : i32
      %cond3A_39 = arith.cmpi ne, %convert_element_type3A_37, %cond3A_38 : i32
      scf.if %cond3A_39 {
        %dma_start3A = arith.constant 0 : i32
        %dma_start3A_41 = arith.constant 0 : i32
        %dma_start3A_42 = tpu.memref_slice %arg3[%dma_start3A, %dma_start3A_41] : memref<10240x128xf32, #tpu.memory_space<hbm>> -> memref<10240x128xf32, #tpu.memory_space<hbm>>
        tpu.enqueue_indirect_dma source(%dma_start3A_42 : memref<10240x128xf32, #tpu.memory_space<hbm>>) target(%arg9 : memref<128x128xf32, #tpu.memory_space<vmem>>) offsets(%arg7 : memref<128xi32, #tpu.memory_space<vmem>>) semaphore(%arg12 : memref<!tpu.dma_semaphore, #tpu.memory_space<semaphore_mem>>)
        %dma_wait3A = arith.constant 0 : i32
        %dma_wait3A_43 = arith.constant 0 : i32
        %dma_wait3A_44 = tpu.memref_slice %arg3[%dma_wait3A, %dma_wait3A_43] : memref<10240x128xf32, #tpu.memory_space<hbm>> -> memref<10240x128xf32, #tpu.memory_space<hbm>>
        tpu.wait_indirect_dma semaphore(%arg12 : memref<!tpu.dma_semaphore, #tpu.memory_space<semaphore_mem>>) src(%dma_wait3A_44 : memref<10240x128xf32, #tpu.memory_space<hbm>>) dst(%arg9 : memref<128x128xf32, #tpu.memory_space<vmem>>)
      } else {
      }
      "tpu.region"() ({
        %run_scoped3A = tpu.sem_alloc : memref<!tpu.dma_semaphore, #tpu.memory_space<semaphore_mem>>
        %dma_start3A = tpu.memref_slice %arg5[%add3A] : memref<327680xi32, #tpu.memory_space<hbm>> -> memref<128xi32, #tpu.memory_space<hbm>>
        %dma_start3A_41 = tpu.memref_slice %arg5[%add3A] : memref<327680xi32, #tpu.memory_space<hbm>> -> memref<128xi32, #tpu.memory_space<hbm>>
        tpu.enqueue_dma source(%dma_start3A_41 : memref<128xi32, #tpu.memory_space<hbm>>) target(%arg8 : memref<128xi32, #tpu.memory_space<vmem>>) target_semaphore(%run_scoped3A : memref<!tpu.dma_semaphore, #tpu.memory_space<semaphore_mem>>)
        %dma_wait3A = tpu.memref_slice %arg5[%add3A] : memref<327680xi32, #tpu.memory_space<hbm>> -> memref<128xi32, #tpu.memory_space<hbm>>
        %dma_wait3A_42 = tpu.memref_slice %arg5[%add3A] : memref<327680xi32, #tpu.memory_space<hbm>> -> memref<128xi32, #tpu.memory_space<hbm>>
        tpu.wait_dma2 semaphore(%run_scoped3A : memref<!tpu.dma_semaphore, #tpu.memory_space<semaphore_mem>>) src(%dma_wait3A_42 : memref<128xi32, #tpu.memory_space<hbm>>) dst(%arg8 : memref<128xi32, #tpu.memory_space<vmem>>)
        tpu.yield
      }) : () -> ()
      "tpu.region"() ({
        %run_scoped3A = tpu.sem_alloc : memref<!tpu.dma_semaphore, #tpu.memory_space<semaphore_mem>>
        %dma_start3A = arith.constant 0 : i32
        %dma_start3A_41 = arith.constant 0 : i32
        %dma_start3A_42 = tpu.memref_slice %arg11[%dma_start3A, %dma_start3A_41] : memref<10240x128xf32, #tpu.memory_space<vmem_shared>> -> memref<10240x128xf32, #tpu.memory_space<vmem_shared>>
        tpu.enqueue_indirect_dma source(%arg9 : memref<128x128xf32, #tpu.memory_space<vmem>>) target(%dma_start3A_42 : memref<10240x128xf32, #tpu.memory_space<vmem_shared>>) offsets(%arg8 : memref<128xi32, #tpu.memory_space<vmem>>) semaphore(%run_scoped3A : memref<!tpu.dma_semaphore, #tpu.memory_space<semaphore_mem>>) {add = true}
        %dma_wait3A = arith.constant 0 : i32
        %dma_wait3A_43 = arith.constant 0 : i32
        %dma_wait3A_44 = tpu.memref_slice %arg11[%dma_wait3A, %dma_wait3A_43] : memref<10240x128xf32, #tpu.memory_space<vmem_shared>> -> memref<10240x128xf32, #tpu.memory_space<vmem_shared>>
        tpu.wait_indirect_dma semaphore(%run_scoped3A : memref<!tpu.dma_semaphore, #tpu.memory_space<semaphore_mem>>) src(%arg9 : memref<128x128xf32, #tpu.memory_space<vmem>>) dst(%dma_wait3A_44 : memref<10240x128xf32, #tpu.memory_space<vmem_shared>>)
        tpu.yield
      }) : () -> ()
      %scan3A_40 = arith.constant 0 : i32
      scf.yield %scan3A_40 : i32
    }
    %scan3A_19 = arith.constant 160 : i32
    %barrier3A_20 = arith.constant 0 : index
    tpu.barrier barrier_id(%barrier3A_20)
    %scan3A_21 = arith.constant 0 : i32
    %scan3A_22 = arith.constant 0 : i32
    %scan3A_23 = arith.constant 5 : i32
    %scan3A_24 = arith.addi %scan3A_22, %scan3A_23 : i32
    %scan3A_25 = arith.constant 1 : i32
    %scan3A_26 = scf.for %scan3A_28 = %scan3A_22 to %scan3A_24 step %scan3A_25 iter_args(%scan3A_29 = %scan3A_21) -> (i32)  : i32 {
      %mul3A = arith.constant 640 : i32
      %mul3A_30 = arith.muli %arg1, %mul3A : i32
      %mul3A_31 = arith.constant 128 : i32
      %mul3A_32 = arith.muli %scan3A_28, %mul3A_31 : i32
      %add3A = arith.addi %mul3A_30, %mul3A_32 : i32
      "tpu.region"() ({
        %run_scoped3A = tpu.sem_alloc : memref<!tpu.dma_semaphore, #tpu.memory_space<semaphore_mem>>
        %dma_start3A = arith.constant 0 : i32
        %dma_start3A_34 = tpu.memref_slice %arg11[%add3A, %dma_start3A] : memref<10240x128xf32, #tpu.memory_space<vmem_shared>> -> memref<128x128xf32, #tpu.memory_space<vmem_shared>>
        %dma_start3A_35 = arith.constant 0 : i32
        %dma_start3A_36 = tpu.memref_slice %arg11[%add3A, %dma_start3A_35] : memref<10240x128xf32, #tpu.memory_space<vmem_shared>> -> memref<128x128xf32, #tpu.memory_space<vmem_shared>>
        tpu.enqueue_dma source(%dma_start3A_36 : memref<128x128xf32, #tpu.memory_space<vmem_shared>>) target(%arg10 : memref<128x128xf32, #tpu.memory_space<vmem>>) target_semaphore(%run_scoped3A : memref<!tpu.dma_semaphore, #tpu.memory_space<semaphore_mem>>)
        %dma_wait3A = arith.constant 0 : i32
        %dma_wait3A_37 = tpu.memref_slice %arg11[%add3A, %dma_wait3A] : memref<10240x128xf32, #tpu.memory_space<vmem_shared>> -> memref<128x128xf32, #tpu.memory_space<vmem_shared>>
        %dma_wait3A_38 = arith.constant 0 : i32
        %dma_wait3A_39 = tpu.memref_slice %arg11[%add3A, %dma_wait3A_38] : memref<10240x128xf32, #tpu.memory_space<vmem_shared>> -> memref<128x128xf32, #tpu.memory_space<vmem_shared>>
        tpu.wait_dma2 semaphore(%run_scoped3A : memref<!tpu.dma_semaphore, #tpu.memory_space<semaphore_mem>>) src(%dma_wait3A_39 : memref<128x128xf32, #tpu.memory_space<vmem_shared>>) dst(%arg10 : memref<128x128xf32, #tpu.memory_space<vmem>>)
        tpu.yield
      }) : () -> ()
      "tpu.region"() ({
        %run_scoped3A = tpu.sem_alloc : memref<!tpu.dma_semaphore, #tpu.memory_space<semaphore_mem>>
        %dma_start3A = arith.constant 0 : i32
        %dma_start3A_34 = tpu.memref_slice %arg6[%arg0, %add3A, %dma_start3A] : memref<2x10240x128xf32, #tpu.memory_space<hbm>> -> memref<1x128x128xf32, #tpu.memory_space<hbm>>
        %dma_start3A_35 = tpu.memref_squeeze %dma_start3A_34 : memref<1x128x128xf32, #tpu.memory_space<hbm>> -> memref<128x128xf32, #tpu.memory_space<hbm>>
        %dma_start3A_36 = arith.constant 0 : i32
        %dma_start3A_37 = tpu.memref_slice %arg6[%arg0, %add3A, %dma_start3A_36] : memref<2x10240x128xf32, #tpu.memory_space<hbm>> -> memref<1x128x128xf32, #tpu.memory_space<hbm>>
        %dma_start3A_38 = tpu.memref_squeeze %dma_start3A_37 : memref<1x128x128xf32, #tpu.memory_space<hbm>> -> memref<128x128xf32, #tpu.memory_space<hbm>>
        tpu.enqueue_dma source(%arg10 : memref<128x128xf32, #tpu.memory_space<vmem>>) target(%dma_start3A_38 : memref<128x128xf32, #tpu.memory_space<hbm>>) target_semaphore(%run_scoped3A : memref<!tpu.dma_semaphore, #tpu.memory_space<semaphore_mem>>)
        %dma_wait3A = arith.constant 0 : i32
        %dma_wait3A_39 = tpu.memref_slice %arg6[%arg0, %add3A, %dma_wait3A] : memref<2x10240x128xf32, #tpu.memory_space<hbm>> -> memref<1x128x128xf32, #tpu.memory_space<hbm>>
        %dma_wait3A_40 = tpu.memref_squeeze %dma_wait3A_39 : memref<1x128x128xf32, #tpu.memory_space<hbm>> -> memref<128x128xf32, #tpu.memory_space<hbm>>
        %dma_wait3A_41 = arith.constant 0 : i32
        %dma_wait3A_42 = tpu.memref_slice %arg6[%arg0, %add3A, %dma_wait3A_41] : memref<2x10240x128xf32, #tpu.memory_space<hbm>> -> memref<1x128x128xf32, #tpu.memory_space<hbm>>
        %dma_wait3A_43 = tpu.memref_squeeze %dma_wait3A_42 : memref<1x128x128xf32, #tpu.memory_space<hbm>> -> memref<128x128xf32, #tpu.memory_space<hbm>>
        tpu.wait_dma2 semaphore(%run_scoped3A : memref<!tpu.dma_semaphore, #tpu.memory_space<semaphore_mem>>) src(%arg10 : memref<128x128xf32, #tpu.memory_space<vmem>>) dst(%dma_wait3A_43 : memref<128x128xf32, #tpu.memory_space<hbm>>)
        tpu.yield
      }) : () -> ()
      %scan3A_33 = arith.constant 0 : i32
      scf.yield %scan3A_33 : i32
    }
    %scan3A_27 = arith.constant 5 : i32
    return
  }
}

#map = affine_map<(d0, d1) -> (0, 0)>
#map1 = affine_map<(d0, d1) -> (0)>
#map2 = affine_map<(d0, d1) -> (0, 0, 0)>
module attributes {stable_mosaic.version = 14 : i64} {
  func.func @agg(%arg0: i32, %arg1: i32, %arg2: memref<10240x48xf32, #tpu.memory_space<hbm>>, %arg3: memref<327680xi32, #tpu.memory_space<hbm>>, %arg4: memref<327680xi32, #tpu.memory_space<hbm>>, %arg5: memref<2x10240x48xf32, #tpu.memory_space<hbm>>, %arg6: memref<128xi32, #tpu.memory_space<vmem>>, %arg7: memref<128xi32, #tpu.memory_space<vmem>>, %arg8: memref<128x48xf32, #tpu.memory_space<vmem>>, %arg9: memref<128x48xf32, #tpu.memory_space<vmem>>, %arg10: memref<10240x48xf32, #tpu.memory_space<vmem_shared>>, %arg11: memref<!tpu.dma_semaphore, #tpu.memory_space<semaphore_mem>>) attributes {dimension_semantics = [#tpu.dimension_semantics<core_parallel>, #tpu.dimension_semantics<subcore_parallel>], iteration_bounds = array<i64: 2, 16>, scalar_prefetch = 0 : i64, scratch_operands = 6 : i64, tpu.core_type = #tpu.core_type<sc_vector_subcore>, window_params = [{transform_indices = #map}, {transform_indices = #map1}, {transform_indices = #map1}, {transform_indices = #map2}]} {
    %mul3A = arith.constant 2 : i32
    %mul3A_0 = arith.muli %arg1, %mul3A : i32
    %add3A = arith.addi %mul3A_0, %arg0 : i32
    %scan3A = arith.constant 0 : i32
    %scan3A_1 = arith.constant 0 : i32
    %scan3A_2 = arith.constant 384 : i32
    %scan3A_3 = arith.addi %scan3A_1, %scan3A_2 : i32
    %scan3A_4 = arith.constant 1 : i32
    %scan3A_5 = scf.for %scan3A_29 = %scan3A_1 to %scan3A_3 step %scan3A_4 iter_args(%scan3A_30 = %scan3A) -> (i32)  : i32 {
      %jit3A = arith.constant 3 : i32
      %div3A = arith.divsi %scan3A_29, %jit3A : i32
      %sign3A = arith.constant 0 : i32
      %sign3A_31 = arith.cmpi sgt, %scan3A_29, %sign3A : i32
      %sign3A_32 = arith.extui %sign3A_31 : i1 to i32
      %sign3A_33 = arith.constant 0 : i32
      %sign3A_34 = arith.cmpi slt, %scan3A_29, %sign3A_33 : i32
      %sign3A_35 = arith.extui %sign3A_34 : i1 to i32
      %sign3A_36 = arith.subi %sign3A_32, %sign3A_35 : i32
      %sign3A_37 = arith.constant 0 : i32
      %sign3A_38 = arith.cmpi sgt, %jit3A, %sign3A_37 : i32
      %sign3A_39 = arith.extui %sign3A_38 : i1 to i32
      %sign3A_40 = arith.constant 0 : i32
      %sign3A_41 = arith.cmpi slt, %jit3A, %sign3A_40 : i32
      %sign3A_42 = arith.extui %sign3A_41 : i1 to i32
      %sign3A_43 = arith.subi %sign3A_39, %sign3A_42 : i32
      %ne3A = arith.cmpi ne, %sign3A_36, %sign3A_43 : i32
      %rem3A = arith.remsi %scan3A_29, %jit3A : i32
      %ne3A_44 = arith.constant 0 : i32
      %ne3A_45 = arith.cmpi ne, %rem3A, %ne3A_44 : i32
      %and3A = arith.andi %ne3A, %ne3A_45 : i1
      %sub3A = arith.constant 1 : i32
      %sub3A_46 = arith.subi %div3A, %sub3A : i32
      %select_n3A = arith.select %and3A, %sub3A_46, %div3A : i32
      %jit3A_47 = arith.constant 3 : i32
      %eq3A = arith.constant 0 : i32
      %eq3A_48 = arith.cmpi eq, %jit3A_47, %eq3A : i32
      %jit3A_49 = arith.constant 1 : i32
      %select_n3A_50 = arith.select %eq3A_48, %jit3A_49, %jit3A_47 : i32
      %rem3A_51 = arith.remsi %scan3A_29, %select_n3A_50 : i32
      %ne3A_52 = arith.constant 0 : i32
      %ne3A_53 = arith.cmpi ne, %rem3A_51, %ne3A_52 : i32
      %lt3A = arith.constant 0 : i32
      %lt3A_54 = arith.cmpi slt, %rem3A_51, %lt3A : i32
      %lt3A_55 = arith.constant 0 : i32
      %lt3A_56 = arith.cmpi slt, %select_n3A_50, %lt3A_55 : i32
      %ne3A_57 = arith.xori %lt3A_54, %lt3A_56 : i1
      %and3A_58 = arith.andi %ne3A_57, %ne3A_53 : i1
      %add3A_59 = arith.addi %rem3A_51, %select_n3A_50 : i32
      %select_n3A_60 = arith.select %and3A_58, %add3A_59, %rem3A_51 : i32
      %mul3A_61 = arith.constant 16 : i32
      %mul3A_62 = arith.muli %select_n3A_60, %mul3A_61 : i32
      %broadcast_in_dim3A = arith.constant 0.000000e+00 : f32
      %broadcast_in_dim3A_63 = vector.broadcast %broadcast_in_dim3A : f32 to vector<16xf32>
      %swap3A = arith.index_cast %select_n3A : i32 to index
      %swap3A_64 = arith.index_cast %mul3A_62 : i32 to index
      %swap3A_65 = tpu.vector_load %arg9[%swap3A, %swap3A_64] {strides = array<i32>} : memref<128x48xf32, #tpu.memory_space<vmem>>, vector<1x16xf32>,
      %swap3A_66 = vector.shape_cast %swap3A_65 : vector<1x16xf32> to vector<16xf32>
      %swap3A_67 = vector.shape_cast %broadcast_in_dim3A_63 : vector<16xf32> to vector<1x16xf32>
      tpu.vector_store %arg9[%swap3A, %swap3A_64], %swap3A_67 {strides = array<i32>} : memref<128x48xf32, #tpu.memory_space<vmem>>, vector<1x16xf32>,
      %scan3A_68 = arith.constant 0 : i32
      scf.yield %scan3A_68 : i32
    }
    %scan3A_6 = arith.constant 384 : i32
    %scan3A_7 = arith.constant 0 : i32
    %scan3A_8 = arith.constant 0 : i32
    %scan3A_9 = arith.constant 5 : i32
    %scan3A_10 = arith.addi %scan3A_8, %scan3A_9 : i32
    %scan3A_11 = arith.constant 1 : i32
    %scan3A_12 = scf.for %scan3A_29 = %scan3A_8 to %scan3A_10 step %scan3A_11 iter_args(%scan3A_30 = %scan3A_7) -> (i32)  : i32 {
      %mul3A_31 = arith.constant 640 : i32
      %mul3A_32 = arith.muli %arg1, %mul3A_31 : i32
      %mul3A_33 = arith.constant 128 : i32
      %mul3A_34 = arith.muli %scan3A_29, %mul3A_33 : i32
      %add3A_35 = arith.addi %mul3A_32, %mul3A_34 : i32
      "tpu.region"() ({
        %run_scoped3A = tpu.sem_alloc : memref<!tpu.dma_semaphore, #tpu.memory_space<semaphore_mem>>
        %dma_start3A = arith.constant 0 : i32
        %dma_start3A_37 = tpu.memref_slice %arg10[%add3A_35, %dma_start3A] : memref<10240x48xf32, #tpu.memory_space<vmem_shared>> -> memref<128x48xf32, #tpu.memory_space<vmem_shared>>
        %dma_start3A_38 = arith.constant 0 : i32
        %dma_start3A_39 = tpu.memref_slice %arg10[%add3A_35, %dma_start3A_38] : memref<10240x48xf32, #tpu.memory_space<vmem_shared>> -> memref<128x48xf32, #tpu.memory_space<vmem_shared>>
        tpu.enqueue_dma source(%arg9 : memref<128x48xf32, #tpu.memory_space<vmem>>) target(%dma_start3A_39 : memref<128x48xf32, #tpu.memory_space<vmem_shared>>) target_semaphore(%run_scoped3A : memref<!tpu.dma_semaphore, #tpu.memory_space<semaphore_mem>>)
        %dma_wait3A = arith.constant 0 : i32
        %dma_wait3A_40 = tpu.memref_slice %arg10[%add3A_35, %dma_wait3A] : memref<10240x48xf32, #tpu.memory_space<vmem_shared>> -> memref<128x48xf32, #tpu.memory_space<vmem_shared>>
        %dma_wait3A_41 = arith.constant 0 : i32
        %dma_wait3A_42 = tpu.memref_slice %arg10[%add3A_35, %dma_wait3A_41] : memref<10240x48xf32, #tpu.memory_space<vmem_shared>> -> memref<128x48xf32, #tpu.memory_space<vmem_shared>>
        tpu.wait_dma2 semaphore(%run_scoped3A : memref<!tpu.dma_semaphore, #tpu.memory_space<semaphore_mem>>) src(%arg9 : memref<128x48xf32, #tpu.memory_space<vmem>>) dst(%dma_wait3A_42 : memref<128x48xf32, #tpu.memory_space<vmem_shared>>)
        tpu.yield
      }) : () -> ()
      %scan3A_36 = arith.constant 0 : i32
      scf.yield %scan3A_36 : i32
    }
    %scan3A_13 = arith.constant 5 : i32
    %barrier3A = arith.constant 0 : index
    tpu.barrier barrier_id(%barrier3A)
    %scan3A_14 = arith.constant 0 : i32
    %scan3A_15 = arith.constant 0 : i32
    %scan3A_16 = arith.constant 80 : i32
    %scan3A_17 = arith.addi %scan3A_15, %scan3A_16 : i32
    %scan3A_18 = arith.constant 1 : i32
    %scan3A_19 = scf.for %scan3A_29 = %scan3A_15 to %scan3A_17 step %scan3A_18 iter_args(%scan3A_30 = %scan3A_14) -> (i32)  : i32 {
      %mul3A_31 = arith.constant 10240 : i32
      %mul3A_32 = arith.muli %add3A, %mul3A_31 : i32
      %mul3A_33 = arith.constant 128 : i32
      %mul3A_34 = arith.muli %scan3A_29, %mul3A_33 : i32
      %add3A_35 = arith.addi %mul3A_32, %mul3A_34 : i32
      "tpu.region"() ({
        %run_scoped3A = tpu.sem_alloc : memref<!tpu.dma_semaphore, #tpu.memory_space<semaphore_mem>>
        %dma_start3A_41 = tpu.memref_slice %arg3[%add3A_35] : memref<327680xi32, #tpu.memory_space<hbm>> -> memref<128xi32, #tpu.memory_space<hbm>>
        %dma_start3A_42 = tpu.memref_slice %arg3[%add3A_35] : memref<327680xi32, #tpu.memory_space<hbm>> -> memref<128xi32, #tpu.memory_space<hbm>>
        tpu.enqueue_dma source(%dma_start3A_42 : memref<128xi32, #tpu.memory_space<hbm>>) target(%arg6 : memref<128xi32, #tpu.memory_space<vmem>>) target_semaphore(%run_scoped3A : memref<!tpu.dma_semaphore, #tpu.memory_space<semaphore_mem>>)
        %dma_wait3A_43 = tpu.memref_slice %arg3[%add3A_35] : memref<327680xi32, #tpu.memory_space<hbm>> -> memref<128xi32, #tpu.memory_space<hbm>>
        %dma_wait3A_44 = tpu.memref_slice %arg3[%add3A_35] : memref<327680xi32, #tpu.memory_space<hbm>> -> memref<128xi32, #tpu.memory_space<hbm>>
        tpu.wait_dma2 semaphore(%run_scoped3A : memref<!tpu.dma_semaphore, #tpu.memory_space<semaphore_mem>>) src(%dma_wait3A_44 : memref<128xi32, #tpu.memory_space<hbm>>) dst(%arg6 : memref<128xi32, #tpu.memory_space<vmem>>)
        tpu.yield
      }) : () -> ()
      %dma_start3A = arith.constant 0 : i32
      %dma_start3A_36 = arith.constant 0 : i32
      %dma_start3A_37 = tpu.memref_slice %arg2[%dma_start3A, %dma_start3A_36] : memref<10240x48xf32, #tpu.memory_space<hbm>> -> memref<10240x48xf32, #tpu.memory_space<hbm>>
      tpu.enqueue_indirect_dma source(%dma_start3A_37 : memref<10240x48xf32, #tpu.memory_space<hbm>>) target(%arg8 : memref<128x48xf32, #tpu.memory_space<vmem>>) offsets(%arg6 : memref<128xi32, #tpu.memory_space<vmem>>) semaphore(%arg11 : memref<!tpu.dma_semaphore, #tpu.memory_space<semaphore_mem>>)
      "tpu.region"() ({
        %run_scoped3A = tpu.sem_alloc : memref<!tpu.dma_semaphore, #tpu.memory_space<semaphore_mem>>
        %dma_start3A_41 = tpu.memref_slice %arg4[%add3A_35] : memref<327680xi32, #tpu.memory_space<hbm>> -> memref<128xi32, #tpu.memory_space<hbm>>
        %dma_start3A_42 = tpu.memref_slice %arg4[%add3A_35] : memref<327680xi32, #tpu.memory_space<hbm>> -> memref<128xi32, #tpu.memory_space<hbm>>
        tpu.enqueue_dma source(%dma_start3A_42 : memref<128xi32, #tpu.memory_space<hbm>>) target(%arg7 : memref<128xi32, #tpu.memory_space<vmem>>) target_semaphore(%run_scoped3A : memref<!tpu.dma_semaphore, #tpu.memory_space<semaphore_mem>>)
        %dma_wait3A_43 = tpu.memref_slice %arg4[%add3A_35] : memref<327680xi32, #tpu.memory_space<hbm>> -> memref<128xi32, #tpu.memory_space<hbm>>
        %dma_wait3A_44 = tpu.memref_slice %arg4[%add3A_35] : memref<327680xi32, #tpu.memory_space<hbm>> -> memref<128xi32, #tpu.memory_space<hbm>>
        tpu.wait_dma2 semaphore(%run_scoped3A : memref<!tpu.dma_semaphore, #tpu.memory_space<semaphore_mem>>) src(%dma_wait3A_44 : memref<128xi32, #tpu.memory_space<hbm>>) dst(%arg7 : memref<128xi32, #tpu.memory_space<vmem>>)
        tpu.yield
      }) : () -> ()
      %dma_wait3A = arith.constant 0 : i32
      %dma_wait3A_38 = arith.constant 0 : i32
      %dma_wait3A_39 = tpu.memref_slice %arg2[%dma_wait3A, %dma_wait3A_38] : memref<10240x48xf32, #tpu.memory_space<hbm>> -> memref<10240x48xf32, #tpu.memory_space<hbm>>
      tpu.wait_indirect_dma semaphore(%arg11 : memref<!tpu.dma_semaphore, #tpu.memory_space<semaphore_mem>>) src(%dma_wait3A_39 : memref<10240x48xf32, #tpu.memory_space<hbm>>) dst(%arg8 : memref<128x48xf32, #tpu.memory_space<vmem>>)
      "tpu.region"() ({
        %run_scoped3A = tpu.sem_alloc : memref<!tpu.dma_semaphore, #tpu.memory_space<semaphore_mem>>
        %dma_start3A_41 = arith.constant 0 : i32
        %dma_start3A_42 = arith.constant 0 : i32
        %dma_start3A_43 = tpu.memref_slice %arg10[%dma_start3A_41, %dma_start3A_42] : memref<10240x48xf32, #tpu.memory_space<vmem_shared>> -> memref<10240x48xf32, #tpu.memory_space<vmem_shared>>
        tpu.enqueue_indirect_dma source(%arg8 : memref<128x48xf32, #tpu.memory_space<vmem>>) target(%dma_start3A_43 : memref<10240x48xf32, #tpu.memory_space<vmem_shared>>) offsets(%arg7 : memref<128xi32, #tpu.memory_space<vmem>>) semaphore(%run_scoped3A : memref<!tpu.dma_semaphore, #tpu.memory_space<semaphore_mem>>) {add = true}
        %dma_wait3A_44 = arith.constant 0 : i32
        %dma_wait3A_45 = arith.constant 0 : i32
        %dma_wait3A_46 = tpu.memref_slice %arg10[%dma_wait3A_44, %dma_wait3A_45] : memref<10240x48xf32, #tpu.memory_space<vmem_shared>> -> memref<10240x48xf32, #tpu.memory_space<vmem_shared>>
        tpu.wait_indirect_dma semaphore(%run_scoped3A : memref<!tpu.dma_semaphore, #tpu.memory_space<semaphore_mem>>) src(%arg8 : memref<128x48xf32, #tpu.memory_space<vmem>>) dst(%dma_wait3A_46 : memref<10240x48xf32, #tpu.memory_space<vmem_shared>>)
        tpu.yield
      }) : () -> ()
      %scan3A_40 = arith.constant 0 : i32
      scf.yield %scan3A_40 : i32
    }
    %scan3A_20 = arith.constant 80 : i32
    %barrier3A_21 = arith.constant 0 : index
    tpu.barrier barrier_id(%barrier3A_21)
    %scan3A_22 = arith.constant 0 : i32
    %scan3A_23 = arith.constant 0 : i32
    %scan3A_24 = arith.constant 5 : i32
    %scan3A_25 = arith.addi %scan3A_23, %scan3A_24 : i32
    %scan3A_26 = arith.constant 1 : i32
    %scan3A_27 = scf.for %scan3A_29 = %scan3A_23 to %scan3A_25 step %scan3A_26 iter_args(%scan3A_30 = %scan3A_22) -> (i32)  : i32 {
      %mul3A_31 = arith.constant 640 : i32
      %mul3A_32 = arith.muli %arg1, %mul3A_31 : i32
      %mul3A_33 = arith.constant 128 : i32
      %mul3A_34 = arith.muli %scan3A_29, %mul3A_33 : i32
      %add3A_35 = arith.addi %mul3A_32, %mul3A_34 : i32
      "tpu.region"() ({
        %run_scoped3A = tpu.sem_alloc : memref<!tpu.dma_semaphore, #tpu.memory_space<semaphore_mem>>
        %dma_start3A = arith.constant 0 : i32
        %dma_start3A_37 = tpu.memref_slice %arg10[%add3A_35, %dma_start3A] : memref<10240x48xf32, #tpu.memory_space<vmem_shared>> -> memref<128x48xf32, #tpu.memory_space<vmem_shared>>
        %dma_start3A_38 = arith.constant 0 : i32
        %dma_start3A_39 = tpu.memref_slice %arg10[%add3A_35, %dma_start3A_38] : memref<10240x48xf32, #tpu.memory_space<vmem_shared>> -> memref<128x48xf32, #tpu.memory_space<vmem_shared>>
        tpu.enqueue_dma source(%dma_start3A_39 : memref<128x48xf32, #tpu.memory_space<vmem_shared>>) target(%arg9 : memref<128x48xf32, #tpu.memory_space<vmem>>) target_semaphore(%run_scoped3A : memref<!tpu.dma_semaphore, #tpu.memory_space<semaphore_mem>>)
        %dma_wait3A = arith.constant 0 : i32
        %dma_wait3A_40 = tpu.memref_slice %arg10[%add3A_35, %dma_wait3A] : memref<10240x48xf32, #tpu.memory_space<vmem_shared>> -> memref<128x48xf32, #tpu.memory_space<vmem_shared>>
        %dma_wait3A_41 = arith.constant 0 : i32
        %dma_wait3A_42 = tpu.memref_slice %arg10[%add3A_35, %dma_wait3A_41] : memref<10240x48xf32, #tpu.memory_space<vmem_shared>> -> memref<128x48xf32, #tpu.memory_space<vmem_shared>>
        tpu.wait_dma2 semaphore(%run_scoped3A : memref<!tpu.dma_semaphore, #tpu.memory_space<semaphore_mem>>) src(%dma_wait3A_42 : memref<128x48xf32, #tpu.memory_space<vmem_shared>>) dst(%arg9 : memref<128x48xf32, #tpu.memory_space<vmem>>)
        tpu.yield
      }) : () -> ()
      "tpu.region"() ({
        %run_scoped3A = tpu.sem_alloc : memref<!tpu.dma_semaphore, #tpu.memory_space<semaphore_mem>>
        %dma_start3A = arith.constant 0 : i32
        %dma_start3A_37 = tpu.memref_slice %arg5[%arg0, %add3A_35, %dma_start3A] : memref<2x10240x48xf32, #tpu.memory_space<hbm>> -> memref<1x128x48xf32, #tpu.memory_space<hbm>>
        %dma_start3A_38 = tpu.memref_squeeze %dma_start3A_37 : memref<1x128x48xf32, #tpu.memory_space<hbm>> -> memref<128x48xf32, #tpu.memory_space<hbm>>
        %dma_start3A_39 = arith.constant 0 : i32
        %dma_start3A_40 = tpu.memref_slice %arg5[%arg0, %add3A_35, %dma_start3A_39] : memref<2x10240x48xf32, #tpu.memory_space<hbm>> -> memref<1x128x48xf32, #tpu.memory_space<hbm>>
        %dma_start3A_41 = tpu.memref_squeeze %dma_start3A_40 : memref<1x128x48xf32, #tpu.memory_space<hbm>> -> memref<128x48xf32, #tpu.memory_space<hbm>>
        tpu.enqueue_dma source(%arg9 : memref<128x48xf32, #tpu.memory_space<vmem>>) target(%dma_start3A_41 : memref<128x48xf32, #tpu.memory_space<hbm>>) target_semaphore(%run_scoped3A : memref<!tpu.dma_semaphore, #tpu.memory_space<semaphore_mem>>)
        %dma_wait3A = arith.constant 0 : i32
        %dma_wait3A_42 = tpu.memref_slice %arg5[%arg0, %add3A_35, %dma_wait3A] : memref<2x10240x48xf32, #tpu.memory_space<hbm>> -> memref<1x128x48xf32, #tpu.memory_space<hbm>>
        %dma_wait3A_43 = tpu.memref_squeeze %dma_wait3A_42 : memref<1x128x48xf32, #tpu.memory_space<hbm>> -> memref<128x48xf32, #tpu.memory_space<hbm>>
        %dma_wait3A_44 = arith.constant 0 : i32
        %dma_wait3A_45 = tpu.memref_slice %arg5[%arg0, %add3A_35, %dma_wait3A_44] : memref<2x10240x48xf32, #tpu.memory_space<hbm>> -> memref<1x128x48xf32, #tpu.memory_space<hbm>>
        %dma_wait3A_46 = tpu.memref_squeeze %dma_wait3A_45 : memref<1x128x48xf32, #tpu.memory_space<hbm>> -> memref<128x48xf32, #tpu.memory_space<hbm>>
        tpu.wait_dma2 semaphore(%run_scoped3A : memref<!tpu.dma_semaphore, #tpu.memory_space<semaphore_mem>>) src(%arg9 : memref<128x48xf32, #tpu.memory_space<vmem>>) dst(%dma_wait3A_46 : memref<128x48xf32, #tpu.memory_space<hbm>>)
        tpu.yield
      }) : () -> ()
      %scan3A_36 = arith.constant 0 : i32
      scf.yield %scan3A_36 : i32
    }
    %scan3A_28 = arith.constant 5 : i32
    return
  }
}

module attributes {stable_mosaic.version = 14 : i64} {
  func.func @_t0_body(%arg0: memref<10000x128xf32, #tpu.memory_space<vmem>>, %arg1: memref<10000x2xf32, #tpu.memory_space<vmem>>, %arg2: memref<10000x2xf32, #tpu.memory_space<vmem>>, %arg3: memref<10240x128xf32, #tpu.memory_space<vmem>>) attributes {dimension_semantics = [], scalar_prefetch = 0 : i64, scratch_operands = 0 : i64, tpu.core_type = #tpu.core_type<tc>} {
    %get3A = arith.constant 0 : index
    %get3A_0 = arith.constant 0 : index
    %get3A_1 = vector.load %arg1[%get3A, %get3A_0] : memref<10000x2xf32, #tpu.memory_space<vmem>>, vector<10000x2xf32>
    %max3A = arith.constant 1.000000e+00 : f32
    %max3A_2 = vector.broadcast %max3A : f32 to vector<10000x2xf32>
    %max3A_3 = arith.maximumf %get3A_1, %max3A_2 : vector<10000x2xf32>
    %rsqrt3A = math.rsqrt %max3A_3 : vector<10000x2xf32>
    %swap3A = arith.constant 0 : index
    %swap3A_4 = arith.constant 0 : index
    %swap3A_5 = vector.load %arg2[%swap3A, %swap3A_4] : memref<10000x2xf32, #tpu.memory_space<vmem>>, vector<10000x2xf32>
    tpu.vector_store %arg2[%swap3A, %swap3A_4], %rsqrt3A {strides = array<i32>} : memref<10000x2xf32, #tpu.memory_space<vmem>>, vector<10000x2xf32>,
    %get3A_6 = arith.constant 0 : index
    %get3A_7 = arith.constant 0 : index
    %get3A_8 = vector.load %arg0[%get3A_6, %get3A_7] : memref<10000x128xf32, #tpu.memory_space<vmem>>, vector<10000x128xf32>
    %slice3A = vector.extract_strided_slice %rsqrt3A {offsets = [0, 0], sizes = [10000, 1], strides = [1, 1]} : vector<10000x2xf32> to vector<10000x1xf32>
    %mul3A = vector.broadcast %slice3A : vector<10000x1xf32> to vector<10000x128xf32>
    %mul3A_9 = arith.mulf %get3A_8, %mul3A : vector<10000x128xf32>
    %swap3A_10 = arith.constant 0 : index
    %swap3A_11 = arith.constant 0 : index
    %swap3A_12 = vector.load %arg3[%swap3A_10, %swap3A_11] : memref<10240x128xf32, #tpu.memory_space<vmem>>, vector<10000x128xf32>
    tpu.vector_store %arg3[%swap3A_10, %swap3A_11], %mul3A_9 {strides = array<i32>} : memref<10240x128xf32, #tpu.memory_space<vmem>>, vector<10000x128xf32>,
    %broadcast_in_dim3A = arith.constant 0.000000e+00 : f32
    %broadcast_in_dim3A_13 = vector.broadcast %broadcast_in_dim3A : f32 to vector<240x128xf32>
    %swap3A_14 = arith.constant 10000 : index
    %swap3A_15 = arith.constant 0 : index
    %swap3A_16 = vector.load %arg3[%swap3A_14, %swap3A_15] : memref<10240x128xf32, #tpu.memory_space<vmem>>, vector<240x128xf32>
    tpu.vector_store %arg3[%swap3A_14, %swap3A_15], %broadcast_in_dim3A_13 {strides = array<i32>} : memref<10240x128xf32, #tpu.memory_space<vmem>>, vector<240x128xf32>,
    return
  }
}

module attributes {stable_mosaic.version = 14 : i64} {
  func.func @_t1_body(%arg0: memref<2x10240x128xf32, #tpu.memory_space<vmem>>, %arg1: memref<10000x2xf32, #tpu.memory_space<vmem>>, %arg2: memref<128x256xf32, #tpu.memory_space<vmem>>, %arg3: memref<256x256xf32, #tpu.memory_space<vmem>>, %arg4: memref<256xf32, #tpu.memory_space<vmem>>, %arg5: memref<256xf32, #tpu.memory_space<vmem>>, %arg6: memref<10240x128xf32, #tpu.memory_space<vmem>>, %arg7: memref<10240x128xf32, #tpu.memory_space<vmem>>) attributes {dimension_semantics = [], scalar_prefetch = 0 : i64, scratch_operands = 0 : i64, tpu.core_type = #tpu.core_type<tc>} {
    %get3A = arith.constant 0 : index
    %get3A_0 = arith.constant 0 : index
    %get3A_1 = arith.constant 0 : index
    %get3A_2 = vector.load %arg0[%get3A, %get3A_0, %get3A_1] : memref<2x10240x128xf32, #tpu.memory_space<vmem>>, vector<1x10000x128xf32>
    %get3A_3 = vector.shape_cast %get3A_2 : vector<1x10000x128xf32> to vector<10000x128xf32>
    %get3A_4 = arith.constant 1 : index
    %get3A_5 = arith.constant 0 : index
    %get3A_6 = arith.constant 0 : index
    %get3A_7 = vector.load %arg0[%get3A_4, %get3A_5, %get3A_6] : memref<2x10240x128xf32, #tpu.memory_space<vmem>>, vector<1x10000x128xf32>
    %get3A_8 = vector.shape_cast %get3A_7 : vector<1x10000x128xf32> to vector<10000x128xf32>
    %add3A = arith.addf %get3A_3, %get3A_8 : vector<10000x128xf32>
    %get3A_9 = arith.constant 0 : index
    %get3A_10 = arith.constant 0 : index
    %get3A_11 = vector.load %arg1[%get3A_9, %get3A_10] : memref<10000x2xf32, #tpu.memory_space<vmem>>, vector<10000x2xf32>
    %get3A_12 = arith.constant 0 : index
    %get3A_13 = arith.constant 0 : index
    %get3A_14 = vector.load %arg2[%get3A_12, %get3A_13] : memref<128x256xf32, #tpu.memory_space<vmem>>, vector<128x256xf32>
    %dot_general3A = arith.constant dense<0.000000e+00> : vector<10000x256xf32>
    %dot_general3A_15 = tpu.matmul %add3A, %get3A_14, %dot_general3A {dimension_numbers = #tpu.dot_dimension_numbers<[1], [0], [0], [1], [0, 0, 1, 1], [], []>, transpose_lhs_hint = false} : vector<10000x128xf32>, vector<128x256xf32>, vector<10000x256xf32> -> vector<10000x256xf32>
    %slice3A = vector.extract_strided_slice %get3A_11 {offsets = [0, 1], sizes = [10000, 1], strides = [1, 1]} : vector<10000x2xf32> to vector<10000x1xf32>
    %mul3A = vector.broadcast %slice3A : vector<10000x1xf32> to vector<10000x256xf32>
    %mul3A_16 = arith.mulf %dot_general3A_15, %mul3A : vector<10000x256xf32>
    %reduce_sum3A = arith.constant dense<0.000000e+00> : vector<256xf32>
    %reduce_sum3A_17 = vector.multi_reduction <add>, %mul3A_16, %reduce_sum3A [0] : vector<10000x256xf32> to vector<256xf32>
    %broadcast_in_dim3A = vector.shape_cast %reduce_sum3A_17 : vector<256xf32> to vector<1x256xf32>
    %div3A = arith.constant 1.000000e+04 : f32
    %div3A_18 = vector.broadcast %div3A : f32 to vector<1x256xf32>
    %div3A_19 = arith.divf %broadcast_in_dim3A, %div3A_18 : vector<1x256xf32>
    %sub3A = vector.broadcast %div3A_19 : vector<1x256xf32> to vector<10000x256xf32>
    %sub3A_20 = arith.subf %mul3A_16, %sub3A : vector<10000x256xf32>
    %integer_pow3A = arith.mulf %sub3A_20, %sub3A_20 : vector<10000x256xf32>
    %reduce_sum3A_21 = arith.constant dense<0.000000e+00> : vector<256xf32>
    %reduce_sum3A_22 = vector.multi_reduction <add>, %integer_pow3A, %reduce_sum3A_21 [0] : vector<10000x256xf32> to vector<256xf32>
    %broadcast_in_dim3A_23 = vector.shape_cast %reduce_sum3A_22 : vector<256xf32> to vector<1x256xf32>
    %div3A_24 = arith.constant 1.000000e+04 : f32
    %div3A_25 = vector.broadcast %div3A_24 : f32 to vector<1x256xf32>
    %div3A_26 = arith.divf %broadcast_in_dim3A_23, %div3A_25 : vector<1x256xf32>
    %sub3A_27 = vector.broadcast %div3A_19 : vector<1x256xf32> to vector<10000x256xf32>
    %sub3A_28 = arith.subf %mul3A_16, %sub3A_27 : vector<10000x256xf32>
    %add3A_29 = arith.constant 9.99999974E-6 : f32
    %add3A_30 = vector.broadcast %add3A_29 : f32 to vector<1x256xf32>
    %add3A_31 = arith.addf %div3A_26, %add3A_30 : vector<1x256xf32>
    %rsqrt3A = math.rsqrt %add3A_31 : vector<1x256xf32>
    %mul3A_32 = vector.broadcast %rsqrt3A : vector<1x256xf32> to vector<10000x256xf32>
    %mul3A_33 = arith.mulf %sub3A_28, %mul3A_32 : vector<10000x256xf32>
    %get3A_34 = arith.constant 0 : index
    %get3A_35 = vector.load %arg4[%get3A_34] : memref<256xf32, #tpu.memory_space<vmem>>, vector<256xf32>
    %broadcast_in_dim3A_36 = vector.shape_cast %get3A_35 : vector<256xf32> to vector<1x256xf32>
    %mul3A_37 = vector.broadcast %broadcast_in_dim3A_36 : vector<1x256xf32> to vector<10000x256xf32>
    %mul3A_38 = arith.mulf %mul3A_33, %mul3A_37 : vector<10000x256xf32>
    %get3A_39 = arith.constant 0 : index
    %get3A_40 = vector.load %arg5[%get3A_39] : memref<256xf32, #tpu.memory_space<vmem>>, vector<256xf32>
    %broadcast_in_dim3A_41 = vector.shape_cast %get3A_40 : vector<256xf32> to vector<1x256xf32>
    %add3A_42 = vector.broadcast %broadcast_in_dim3A_41 : vector<1x256xf32> to vector<10000x256xf32>
    %add3A_43 = arith.addf %mul3A_38, %add3A_42 : vector<10000x256xf32>
    %max3A = arith.constant 0.000000e+00 : f32
    %max3A_44 = vector.broadcast %max3A : f32 to vector<10000x256xf32>
    %max3A_45 = arith.maximumf %add3A_43, %max3A_44 : vector<10000x256xf32>
    %slice3A_46 = vector.extract_strided_slice %get3A_11 {offsets = [0, 0], sizes = [10000, 1], strides = [1, 1]} : vector<10000x2xf32> to vector<10000x1xf32>
    %mul3A_47 = vector.broadcast %slice3A_46 : vector<10000x1xf32> to vector<10000x256xf32>
    %mul3A_48 = arith.mulf %max3A_45, %mul3A_47 : vector<10000x256xf32>
    %get3A_49 = arith.constant 0 : index
    %get3A_50 = arith.constant 0 : index
    %get3A_51 = vector.load %arg3[%get3A_49, %get3A_50] : memref<256x256xf32, #tpu.memory_space<vmem>>, vector<256x256xf32>
    %dot_general3A_52 = arith.constant dense<0.000000e+00> : vector<10000x256xf32>
    %dot_general3A_53 = tpu.matmul %mul3A_48, %get3A_51, %dot_general3A_52 {dimension_numbers = #tpu.dot_dimension_numbers<[1], [0], [0], [1], [0, 0, 1, 1], [], []>, transpose_lhs_hint = false} : vector<10000x256xf32>, vector<256x256xf32>, vector<10000x256xf32> -> vector<10000x256xf32>
    %slice3A_54 = vector.extract_strided_slice %dot_general3A_53 {offsets = [0, 0], sizes = [10000, 128], strides = [1, 1]} : vector<10000x256xf32> to vector<10000x128xf32>
    %swap3A = arith.constant 0 : index
    %swap3A_55 = arith.constant 0 : index
    %swap3A_56 = vector.load %arg6[%swap3A, %swap3A_55] : memref<10240x128xf32, #tpu.memory_space<vmem>>, vector<10000x128xf32>
    tpu.vector_store %arg6[%swap3A, %swap3A_55], %slice3A_54 {strides = array<i32>} : memref<10240x128xf32, #tpu.memory_space<vmem>>, vector<10000x128xf32>,
    %broadcast_in_dim3A_57 = arith.constant 0.000000e+00 : f32
    %broadcast_in_dim3A_58 = vector.broadcast %broadcast_in_dim3A_57 : f32 to vector<240x128xf32>
    %swap3A_59 = arith.constant 10000 : index
    %swap3A_60 = arith.constant 0 : index
    %swap3A_61 = vector.load %arg6[%swap3A_59, %swap3A_60] : memref<10240x128xf32, #tpu.memory_space<vmem>>, vector<240x128xf32>
    tpu.vector_store %arg6[%swap3A_59, %swap3A_60], %broadcast_in_dim3A_58 {strides = array<i32>} : memref<10240x128xf32, #tpu.memory_space<vmem>>, vector<240x128xf32>,
    %slice3A_62 = vector.extract_strided_slice %dot_general3A_53 {offsets = [0, 128], sizes = [10000, 128], strides = [1, 1]} : vector<10000x256xf32> to vector<10000x128xf32>
    %swap3A_63 = arith.constant 0 : index
    %swap3A_64 = arith.constant 0 : index
    %swap3A_65 = vector.load %arg7[%swap3A_63, %swap3A_64] : memref<10240x128xf32, #tpu.memory_space<vmem>>, vector<10000x128xf32>
    tpu.vector_store %arg7[%swap3A_63, %swap3A_64], %slice3A_62 {strides = array<i32>} : memref<10240x128xf32, #tpu.memory_space<vmem>>, vector<10000x128xf32>,
    %broadcast_in_dim3A_66 = arith.constant 0.000000e+00 : f32
    %broadcast_in_dim3A_67 = vector.broadcast %broadcast_in_dim3A_66 : f32 to vector<240x128xf32>
    %swap3A_68 = arith.constant 10000 : index
    %swap3A_69 = arith.constant 0 : index
    %swap3A_70 = vector.load %arg7[%swap3A_68, %swap3A_69] : memref<10240x128xf32, #tpu.memory_space<vmem>>, vector<240x128xf32>
    tpu.vector_store %arg7[%swap3A_68, %swap3A_69], %broadcast_in_dim3A_67 {strides = array<i32>} : memref<10240x128xf32, #tpu.memory_space<vmem>>, vector<240x128xf32>,
    return
  }
}

module attributes {stable_mosaic.version = 14 : i64} {
  func.func @_t2_body(%arg0: memref<2x10240x128xf32, #tpu.memory_space<vmem>>, %arg1: memref<10000x2xf32, #tpu.memory_space<vmem>>, %arg2: memref<256x40xf32, #tpu.memory_space<vmem>>, %arg3: memref<256xf32, #tpu.memory_space<vmem>>, %arg4: memref<256xf32, #tpu.memory_space<vmem>>, %arg5: memref<10240x48xf32, #tpu.memory_space<vmem>>) attributes {dimension_semantics = [], scalar_prefetch = 0 : i64, scratch_operands = 0 : i64, tpu.core_type = #tpu.core_type<tc>} {
    %get3A = arith.constant 0 : index
    %get3A_0 = arith.constant 0 : index
    %get3A_1 = arith.constant 0 : index
    %get3A_2 = vector.load %arg0[%get3A, %get3A_0, %get3A_1] : memref<2x10240x128xf32, #tpu.memory_space<vmem>>, vector<1x10000x128xf32>
    %get3A_3 = vector.shape_cast %get3A_2 : vector<1x10000x128xf32> to vector<10000x128xf32>
    %get3A_4 = arith.constant 1 : index
    %get3A_5 = arith.constant 0 : index
    %get3A_6 = arith.constant 0 : index
    %get3A_7 = vector.load %arg0[%get3A_4, %get3A_5, %get3A_6] : memref<2x10240x128xf32, #tpu.memory_space<vmem>>, vector<1x10000x128xf32>
    %get3A_8 = vector.shape_cast %get3A_7 : vector<1x10000x128xf32> to vector<10000x128xf32>
    %concatenate3A = tpu.concatenate %get3A_3, %get3A_8 in 1 : vector<10000x128xf32>, vector<10000x128xf32> -> vector<10000x256xf32>
    %get3A_9 = arith.constant 0 : index
    %get3A_10 = arith.constant 0 : index
    %get3A_11 = vector.load %arg1[%get3A_9, %get3A_10] : memref<10000x2xf32, #tpu.memory_space<vmem>>, vector<10000x2xf32>
    %slice3A = vector.extract_strided_slice %get3A_11 {offsets = [0, 1], sizes = [10000, 1], strides = [1, 1]} : vector<10000x2xf32> to vector<10000x1xf32>
    %mul3A = vector.broadcast %slice3A : vector<10000x1xf32> to vector<10000x256xf32>
    %mul3A_12 = arith.mulf %concatenate3A, %mul3A : vector<10000x256xf32>
    %reduce_sum3A = arith.constant dense<0.000000e+00> : vector<256xf32>
    %reduce_sum3A_13 = vector.multi_reduction <add>, %mul3A_12, %reduce_sum3A [0] : vector<10000x256xf32> to vector<256xf32>
    %broadcast_in_dim3A = vector.shape_cast %reduce_sum3A_13 : vector<256xf32> to vector<1x256xf32>
    %div3A = arith.constant 1.000000e+04 : f32
    %div3A_14 = vector.broadcast %div3A : f32 to vector<1x256xf32>
    %div3A_15 = arith.divf %broadcast_in_dim3A, %div3A_14 : vector<1x256xf32>
    %sub3A = vector.broadcast %div3A_15 : vector<1x256xf32> to vector<10000x256xf32>
    %sub3A_16 = arith.subf %mul3A_12, %sub3A : vector<10000x256xf32>
    %integer_pow3A = arith.mulf %sub3A_16, %sub3A_16 : vector<10000x256xf32>
    %reduce_sum3A_17 = arith.constant dense<0.000000e+00> : vector<256xf32>
    %reduce_sum3A_18 = vector.multi_reduction <add>, %integer_pow3A, %reduce_sum3A_17 [0] : vector<10000x256xf32> to vector<256xf32>
    %broadcast_in_dim3A_19 = vector.shape_cast %reduce_sum3A_18 : vector<256xf32> to vector<1x256xf32>
    %div3A_20 = arith.constant 1.000000e+04 : f32
    %div3A_21 = vector.broadcast %div3A_20 : f32 to vector<1x256xf32>
    %div3A_22 = arith.divf %broadcast_in_dim3A_19, %div3A_21 : vector<1x256xf32>
    %sub3A_23 = vector.broadcast %div3A_15 : vector<1x256xf32> to vector<10000x256xf32>
    %sub3A_24 = arith.subf %mul3A_12, %sub3A_23 : vector<10000x256xf32>
    %add3A = arith.constant 9.99999974E-6 : f32
    %add3A_25 = vector.broadcast %add3A : f32 to vector<1x256xf32>
    %add3A_26 = arith.addf %div3A_22, %add3A_25 : vector<1x256xf32>
    %rsqrt3A = math.rsqrt %add3A_26 : vector<1x256xf32>
    %mul3A_27 = vector.broadcast %rsqrt3A : vector<1x256xf32> to vector<10000x256xf32>
    %mul3A_28 = arith.mulf %sub3A_24, %mul3A_27 : vector<10000x256xf32>
    %get3A_29 = arith.constant 0 : index
    %get3A_30 = vector.load %arg3[%get3A_29] : memref<256xf32, #tpu.memory_space<vmem>>, vector<256xf32>
    %broadcast_in_dim3A_31 = vector.shape_cast %get3A_30 : vector<256xf32> to vector<1x256xf32>
    %mul3A_32 = vector.broadcast %broadcast_in_dim3A_31 : vector<1x256xf32> to vector<10000x256xf32>
    %mul3A_33 = arith.mulf %mul3A_28, %mul3A_32 : vector<10000x256xf32>
    %get3A_34 = arith.constant 0 : index
    %get3A_35 = vector.load %arg4[%get3A_34] : memref<256xf32, #tpu.memory_space<vmem>>, vector<256xf32>
    %broadcast_in_dim3A_36 = vector.shape_cast %get3A_35 : vector<256xf32> to vector<1x256xf32>
    %add3A_37 = vector.broadcast %broadcast_in_dim3A_36 : vector<1x256xf32> to vector<10000x256xf32>
    %add3A_38 = arith.addf %mul3A_33, %add3A_37 : vector<10000x256xf32>
    %max3A = arith.constant 0.000000e+00 : f32
    %max3A_39 = vector.broadcast %max3A : f32 to vector<10000x256xf32>
    %max3A_40 = arith.maximumf %add3A_38, %max3A_39 : vector<10000x256xf32>
    %slice3A_41 = vector.extract_strided_slice %get3A_11 {offsets = [0, 0], sizes = [10000, 1], strides = [1, 1]} : vector<10000x2xf32> to vector<10000x1xf32>
    %mul3A_42 = vector.broadcast %slice3A_41 : vector<10000x1xf32> to vector<10000x256xf32>
    %mul3A_43 = arith.mulf %max3A_40, %mul3A_42 : vector<10000x256xf32>
    %get3A_44 = arith.constant 0 : index
    %get3A_45 = arith.constant 0 : index
    %get3A_46 = vector.load %arg2[%get3A_44, %get3A_45] : memref<256x40xf32, #tpu.memory_space<vmem>>, vector<256x40xf32>
    %dot_general3A = arith.constant dense<0.000000e+00> : vector<10000x40xf32>
    %dot_general3A_47 = tpu.matmul %mul3A_43, %get3A_46, %dot_general3A {dimension_numbers = #tpu.dot_dimension_numbers<[1], [0], [0], [1], [0, 0, 1, 1], [], []>, transpose_lhs_hint = false} : vector<10000x256xf32>, vector<256x40xf32>, vector<10000x40xf32> -> vector<10000x40xf32>
    %swap3A = arith.constant 0 : index
    %swap3A_48 = arith.constant 0 : index
    %swap3A_49 = vector.load %arg5[%swap3A, %swap3A_48] : memref<10240x48xf32, #tpu.memory_space<vmem>>, vector<10000x40xf32>
    tpu.vector_store %arg5[%swap3A, %swap3A_48], %dot_general3A_47 {strides = array<i32>} : memref<10240x48xf32, #tpu.memory_space<vmem>>, vector<10000x40xf32>,
    %broadcast_in_dim3A_50 = arith.constant 0.000000e+00 : f32
    %broadcast_in_dim3A_51 = vector.broadcast %broadcast_in_dim3A_50 : f32 to vector<10000x8xf32>
    %swap3A_52 = arith.constant 0 : index
    %swap3A_53 = arith.constant 40 : index
    %swap3A_54 = vector.load %arg5[%swap3A_52, %swap3A_53] : memref<10240x48xf32, #tpu.memory_space<vmem>>, vector<10000x8xf32>
    tpu.vector_store %arg5[%swap3A_52, %swap3A_53], %broadcast_in_dim3A_51 {strides = array<i32>} : memref<10240x48xf32, #tpu.memory_space<vmem>>, vector<10000x8xf32>,
    %broadcast_in_dim3A_55 = arith.constant 0.000000e+00 : f32
    %broadcast_in_dim3A_56 = vector.broadcast %broadcast_in_dim3A_55 : f32 to vector<240x48xf32>
    %swap3A_57 = arith.constant 10000 : index
    %swap3A_58 = arith.constant 0 : index
    %swap3A_59 = vector.load %arg5[%swap3A_57, %swap3A_58] : memref<10240x48xf32, #tpu.memory_space<vmem>>, vector<240x48xf32>
    tpu.vector_store %arg5[%swap3A_57, %swap3A_58], %broadcast_in_dim3A_56 {strides = array<i32>} : memref<10240x48xf32, #tpu.memory_space<vmem>>, vector<240x48xf32>,
    return
  }
}

module attributes {stable_mosaic.version = 14 : i64} {
  func.func @_t3_body(%arg0: memref<2x10240x48xf32, #tpu.memory_space<vmem>>, %arg1: memref<10000x2xf32, #tpu.memory_space<vmem>>, %arg2: memref<40xf32, #tpu.memory_space<vmem>>, %arg3: memref<10000x40xf32, #tpu.memory_space<vmem>>) attributes {dimension_semantics = [], scalar_prefetch = 0 : i64, scratch_operands = 0 : i64, tpu.core_type = #tpu.core_type<tc>} {
    %get3A = arith.constant 0 : index
    %get3A_0 = arith.constant 0 : index
    %get3A_1 = arith.constant 0 : index
    %get3A_2 = vector.load %arg0[%get3A, %get3A_0, %get3A_1] : memref<2x10240x48xf32, #tpu.memory_space<vmem>>, vector<1x10000x40xf32>
    %get3A_3 = vector.shape_cast %get3A_2 : vector<1x10000x40xf32> to vector<10000x40xf32>
    %get3A_4 = arith.constant 1 : index
    %get3A_5 = arith.constant 0 : index
    %get3A_6 = arith.constant 0 : index
    %get3A_7 = vector.load %arg0[%get3A_4, %get3A_5, %get3A_6] : memref<2x10240x48xf32, #tpu.memory_space<vmem>>, vector<1x10000x40xf32>
    %get3A_8 = vector.shape_cast %get3A_7 : vector<1x10000x40xf32> to vector<10000x40xf32>
    %add3A = arith.addf %get3A_3, %get3A_8 : vector<10000x40xf32>
    %get3A_9 = arith.constant 0 : index
    %get3A_10 = arith.constant 0 : index
    %get3A_11 = vector.load %arg1[%get3A_9, %get3A_10] : memref<10000x2xf32, #tpu.memory_space<vmem>>, vector<10000x2xf32>
    %slice3A = vector.extract_strided_slice %get3A_11 {offsets = [0, 1], sizes = [10000, 1], strides = [1, 1]} : vector<10000x2xf32> to vector<10000x1xf32>
    %mul3A = vector.broadcast %slice3A : vector<10000x1xf32> to vector<10000x40xf32>
    %mul3A_12 = arith.mulf %add3A, %mul3A : vector<10000x40xf32>
    %get3A_13 = arith.constant 0 : index
    %get3A_14 = vector.load %arg2[%get3A_13] : memref<40xf32, #tpu.memory_space<vmem>>, vector<40xf32>
    %broadcast_in_dim3A = vector.shape_cast %get3A_14 : vector<40xf32> to vector<1x40xf32>
    %add3A_15 = vector.broadcast %broadcast_in_dim3A : vector<1x40xf32> to vector<10000x40xf32>
    %add3A_16 = arith.addf %mul3A_12, %add3A_15 : vector<10000x40xf32>
    %swap3A = arith.constant 0 : index
    %swap3A_17 = arith.constant 0 : index
    %swap3A_18 = vector.load %arg3[%swap3A, %swap3A_17] : memref<10000x40xf32, #tpu.memory_space<vmem>>, vector<10000x40xf32>
    tpu.vector_store %arg3[%swap3A, %swap3A_17], %add3A_16 {strides = array<i32>} : memref<10000x40xf32, #tpu.memory_space<vmem>>, vector<10000x40xf32>,
    return
  }
}

</mosaic_0001>

<sc_bundles>
// kernel: kernel.10.cloned.1.call-start
scs
__scs_entry_jumppad:
0x0: {  	(pc) =	sbr.rel $0x88, $3  }
0x1: {  	(tag) =	ssettag $0x0;
	lr =	simm.s32 $0x1  }
0x2: {  	[smem:$0x3F97] =	sst lr;
	_ =	strace $0xD0000000  }
0x3: {  	_ = 	snop  }
0x4: {  	_ = 	snop  }
0x5: {  	_ = 	snop  }
0x6: {  	_ = 	snop  }
0x7: {  	_ = 	snop  }
__scs_overlays_trampoline_lowered:
0x8: {  	[smem:$0x3FA6] =	sst s0  }
0x9: {  	[smem:$0x3FA7] =	sst s1  }
0xa: {  	[smem:$0x3FA8] =	sst s2  }
0xb: {  	[smem:$0x3FA9] =	sst s3  }
0xc: {  	[smem:$0x3FAA] =	sst s4  }
0xd: {  	[smem:$0x3FAB] =	sst s5  }
0xe: {  	[smem:$0x3FAC] =	sst s6  }
0xf: {  	[smem:$0x3FAD] =	sst s7  }
0x10: {  	[smem:$0x3FAE] =	sst s8  }
0x11: {  	[smem:$0x3FAF] =	sst s9;
	s0 =	simm.s32 @!p0 $0x0  }
0x12: {  	s1 =	sld [smem:$0x3F95];
	s0 =	simm.s32 @p0 $0x1  }
0x13: {  	[smem:$0x3FB0] =	sst s0;
	s0 =	simm.s32 @!p1 $0x0  }
0x14: {  	s2 =	sld [smem:$0x3F94];
	s0 =	simm.s32 @p1 $0x1  }
0x15: {  	[smem:$0x3FB1] =	sst s0;
	s0 =	simm.s32 @!p2 $0x0  }
0x16: {  	s3 =	sld [smem:$0x3FDB];
	s0 =	simm.s32 @p2 $0x1  }
0x17: {  	s4 =	simm.s32 $0x1BF5;
	[smem:$0x3FB3] =	sst s0  }
0x18: {  	s0 =	sld [smem:$0x3F96];
	_ =	swait.ge [sflag:s4], $0x0  }
0x19: {  	s7 =	sld [smem:$0x3F97]  }
0x1a: {  	s8 =	sadd.s32 $0xFFFFE003, lr  }
0x1b: {  	s9 =	sadd.s32 $0xFFFFFEF7, lr;
	s5 =	simm.s32 $0xFFFFFFFF;
	p2 =	slt.u32 s8, $0xFFFFF086  }
0x1c: {  	p1 =	slt.u32 s9, $0xF7A;
	s5 =	simm.s32 @!p2 $0x0  }
0x1d: {  	s5 =	simm.s32 @p1 $0x1;
	p0 =	seq.s32 s7, s2  }
0x1e: {  	s7 =	smul.u32 @!p0 $0xF7A, s2;
	p2 =	seq.s32 @!p0 s5, $0x0  }
0x1f: {  	s9 =	smul.u32 $0xF7A, s1;
	s8 =	simm.s32 @!p0 $0x1BF5;
	p2 =	por !p2, p0  }
0x20: {  	[sflag:s8] =	ssyncset.s32 @!p0 $0xFFFFF086;
	s6 =	sadd.s32 @!p0 s3, s7;
	s7 =	simm.s32 @!p0 $0x108  }
0x21: {  	s3 =	sadd.s32 s3, s9;
	s6 =	sadd.s32 @!p0 $0x88, s6;
	s7 =	simm.s32 @p2 $0x1082  }
0x22: {  	[simem:s7], [sflag:s8] =	dma.local @!p0 [hbm:s6], $0xF7A  }
0x23: {  	s9 =	sor.u32 $0xD0000000, s2;
	s6 =	simm.s32 $0x108;
	_ =	swait.ge @!p0 [sflag:s8], $0x0  }
0x24: {  	s3 =	sadd.s32 $0x88, s3;
	s6 =	simm.s32 @!p1 $0x1082;
	[sflag:s4] =	ssyncset.s32 $0xFFFFF086  }
0x25: {  	[simem:s6], [sflag:s4] =	dma.local [hbm:s3], $0xF7A  }
0x26: {  	[smem:$0x3F97] =	sst s1;
	(tag) =	ssettag s2;
	_ =	strace s9  }
0x27: {  	s1 =	sld [smem:$0x3FA7]  }
0x28: {  	s2 =	sld [smem:$0x3FA8]  }
0x29: {  	s4 =	sld [smem:$0x3FAA]  }
0x2a: {  	p0 =	seq.s32 s5, $0x0;
	s5 =	sld [smem:$0x3FAB]  }
0x2b: {  	s6 =	sld [smem:$0x3FAC]  }
0x2c: {  	s7 =	sld [smem:$0x3FAD]  }
0x2d: {  	s3 =	simm.s32 $0x108;
	s8 =	sld [smem:$0x3FAE]  }
0x2e: {  	s3 =	simm.s32 @!p0 $0x1082;
	s9 =	sld [smem:$0x3FAF]  }
0x2f: {  	lr =	sadd.s32 s0, s3;
	s0 =	sld [smem:$0x3FA6]  }
0x30: {  	s3 =	sld [smem:$0x3FA9]  }
0x31: {  	[smem:$0x3FB2] =	sst s10  }
0x32: {  	s10 =	sld [smem:$0x3FB0];
	_ =	sdelay $0x3  }
0x33: {  	p0 =	seq.s32 s10, $0x1;
	s10 =	sld [smem:$0x3FB2];
	_ =	sdelay $0x3  }
0x34: {  	[smem:$0x3FB2] =	sst s10  }
0x35: {  	s10 =	sld [smem:$0x3FB1];
	_ =	sdelay $0x3  }
0x36: {  	p1 =	seq.s32 s10, $0x1;
	s10 =	sld [smem:$0x3FB2];
	_ =	sdelay $0x3  }
0x37: {  	[smem:$0x3FB2] =	sst s10  }
0x38: {  	s10 =	sld [smem:$0x3FB3]  }
0x39: {  	_ = 	snop;
	(pc) =	sbr.ind lr, $3  }
0x3a: {  	_ = 	snop  }
0x3b: {  	_ = 	snop  }
0x3c: {  	p2 =	seq.s32 s10, $0x1;
	s10 =	sld [smem:$0x3FB2]  }
0x3d: {  	_ =	shalt  }
0x3e: {  	_ =	shalt  }
0x3f: {  	_ =	shalt  }
0x40: {  	_ =	shalt  }
0x41: {  	_ =	shalt  }
0x42: {  	_ =	shalt  }
0x43: {  	_ =	shalt  }
0x44: {  	_ =	shalt  }
0x45: {  	_ =	shalt  }
0x46: {  	_ =	shalt  }
0x47: {  	_ =	shalt  }
0x48: {  	_ =	shalt  }
0x49: {  	_ =	shalt  }
0x4a: {  	_ =	shalt  }
0x4b: {  	_ =	shalt  }
0x4c: {  	_ =	shalt  }
0x4d: {  	_ =	shalt  }
0x4e: {  	_ =	shalt  }
0x4f: {  	_ =	shalt  }
0x50: {  	_ =	shalt  }
0x51: {  	_ =	shalt  }
0x52: {  	_ =	shalt  }
0x53: {  	_ =	shalt  }
0x54: {  	_ =	shalt  }
0x55: {  	_ =	shalt  }
0x56: {  	_ =	shalt  }
0x57: {  	_ =	shalt  }
0x58: {  	_ =	shalt  }
0x59: {  	_ =	shalt  }
0x5a: {  	_ =	shalt  }
0x5b: {  	_ =	shalt  }
0x5c: {  	_ =	shalt  }
0x5d: {  	_ =	shalt  }
0x5e: {  	_ =	shalt  }
0x5f: {  	_ =	shalt  }
0x60: {  	_ =	shalt  }
0x61: {  	_ =	shalt  }
0x62: {  	_ =	shalt  }
0x63: {  	_ =	shalt  }
0x64: {  	_ =	shalt  }
0x65: {  	_ =	shalt  }
0x66: {  	_ =	shalt  }
0x67: {  	_ =	shalt  }
0x68: {  	_ =	shalt  }
0x69: {  	_ =	shalt  }
0x6a: {  	_ =	shalt  }
0x6b: {  	_ =	shalt  }
0x6c: {  	_ =	shalt  }
0x6d: {  	_ =	shalt  }
0x6e: {  	_ =	shalt  }
0x6f: {  	_ =	shalt  }
0x70: {  	_ =	shalt  }
0x71: {  	_ =	shalt  }
0x72: {  	_ =	shalt  }
0x73: {  	_ =	shalt  }
0x74: {  	_ =	shalt  }
0x75: {  	_ =	shalt  }
0x76: {  	_ =	shalt  }
0x77: {  	_ =	shalt  }
0x78: {  	_ =	shalt  }
0x79: {  	_ =	shalt  }
0x7a: {  	_ =	shalt  }
0x7b: {  	_ =	shalt  }
0x7c: {  	_ =	shalt  }
0x7d: {  	_ =	shalt  }
0x7e: {  	_ =	shalt  }
0x7f: {  	_ =	shalt  }
0x80: {  	_ =	shalt  }
0x81: {  	_ =	shalt  }
0x82: {  	_ =	shalt  }
0x83: {  	_ =	shalt  }
0x84: {  	_ =	shalt  }
0x85: {  	_ =	shalt  }
0x86: {  	_ =	shalt  }
0x87: {  	_ =	shalt  }
.Lfunc_end0:
.L_simem_size_0:
called_computation_lowered:
.L_overlay_start_0:
0x88: {  	s2 =	sld [smem:$0x3FD9]  }
0x89: {  	s3 =	sld [smem:$0x3FFE];
	_ =	sdelay $0x1  }
0x8a: {  	s1 =	srdreg.scid  }
0x8b: {  	s0 =	sand.u32 $0x1, s1  }
0x8c: {  	s17 =	sshll.u32 s0, $0xA;
	s2 =	sadd.s32 s3, s2  }
0x8d: {  	s2 =	sadd.s32 s2, s17  }
0x8e: {  	[smem:$0x3FBE] =	sst s2  }
0x8f: {  	_ = 	snop  }
0x90: {  	s2 =	sld [smem:$0x3FD0];
	(tm) =	ssettm $0x1  }
0x91: {  	s18 =	sld [smem:$0x3FFB];
	_ =	sdelay $0x3  }
0x92: {  	_ =	strace s18  }
0x93: {  	s3 =	sld [smem:$0x3FFC];
	_ =	sdelay $0x3  }
0x94: {  	_ =	strace s3  }
0x95: {  	s3 =	sld [smem:$0x3FFD];
	_ =	sdelay $0x3  }
0x96: {  	_ =	strace s3  }
0x97: {  	_ =	strace $0x8FFFFFFF  }
0x98: {  	s19 =	sld [smem:$0x3FDB];
	_ =	sdelay $0x1  }
0x99: {  	s4 =	simm.s32 $_scs_section_size  }
0x9a: {  	s5 =	simm.s32 $_size__tile_overlayer_lowered;
	s6 =	simm.s32 $_tile_overlayer_lowered  }
0x9b: {  	s22 =	simm.s32 $0x1BFF;
	s21 =	sshll.u32 s6, $0x1;
	s3 =	sadd.s32 s4, s19  }
0x9c: {  	s7 =	simm.s32 $0x0;
	s20 =	sshll.u32 s5, $0x1;
	s5 =	sadd.s32 s21, s3  }
0x9d: {  	[timem:s7], [sflag:s22] =	dma.local [hbm:s5], s20  }
0x9e: {  	_ =	swait.ge [sflag:s22], s20  }
0x9f: {  	s4 =	ssub.s32 $0x0, s20;
	[sflag:s22] =	ssyncset.done $0x0  }
0xa0: {  	[sflag:s22] =	ssyncadd.s32 s4;
	_ =	sdelay $0x1  }
0xa1: {  	s23 =	simm.s32 $0x1B8B  }
0xa2: {  	_ =	swait.ge [sflag:s23], $0x1  }
0xa3: {  	[sflag:s23] =	ssyncset.done $0x0  }
0xa4: {  	s25 =	simm.s32 $0x1B8E;
	s24 =	sld [smem:$0x3FFE];
	[sflag:s23] =	ssyncadd.s32 $0xFFFFFFFF  }
0xa5: {  	s26 =	simm.s32 $execute0_lowered;
	[smem:$0x3FD2] =	sst s25  }
0xa6: {  	s5 =	sshll.u32 s26, $0x1;
	_ =	strace $0x80000046;
	[dreg:$0x1] =	wrdreg $0xFFFFFFFF  }
0xa7: {  	s28 =	simm.s32 $_size_execute0_lowered;
	s3 =	sadd.s32 s3, s5;
	[dreg:$0x0] =	wrdreg $0x0  }
0xa8: {  	s5 =	sshll.u32 s28, $0x1;
	[dreg:$0x2] =	wrdreg s3  }
0xa9: {  	[dreg:$0x3] =	wrdreg s5  }
0xaa: {  	[dreg:$0x4] =	wrdreg $0xC0  }
0xab: {  	_ =	task [dreg:s7], $0x5FFFF  }
0xac: {  	[dreg:$0x1] =	wrdreg $0xFFFFFFFF  }
0xad: {  	[dreg:$0x0] =	wrdreg $0x60  }
0xae: {  	[dreg:$0x2] =	wrdreg s24  }
0xaf: {  	[dreg:$0x3] =	wrdreg s2  }
0xb0: {  	[dreg:$0x4] =	wrdreg $0x3800  }
0xb1: {  	[dreg:$0x5] =	wrdreg $0x9  }
0xb2: {  	_ =	task.clear_ibuf [dreg:s7], $0x6FFFF;
	_ =	strace $0x90000046  }
0xb3: {  	s29 =	simm.s32 $0x9;
	_ =	strace $0x80000048  }
0xb4: {  	_ =	swait.ge [sflag:s29], $0x1  }
0xb5: {  	[sflag:s29] =	ssyncadd.s32 $0xFFFFFFFF  }
0xb6: {  	_ =	strace $0x90000048  }
0xb7: {  	_ =	sfence  }
0xb8: {  	s30 =	sld [smem:$0x0];
	_ =	sdelay $0x2  }
0xb9: {  	s31 =	sshll.u32 s1, $0xD;
	s1 =	sshrl.u32 s1, $0x2  }
0xba: {  	s3 =	sand.u32 $0x4000, s31;
	s1 =	sadd.s32 s1, s30  }
0xbb: {  	s0 =	sor.u32 s3, s0;
	s1 =	sshll.u32 s1, $0x11  }
0xbc: {  	s0 =	sor.u32 s1, s0  }
0xbd: {  	s0 =	sadd.s32 $0x8F2B, s0  }
0xbe: {  	[sflag:s0] =	ssyncadd.remote.s32 $0x1  }
0xbf: {  	_ =	sfence.sel $0xFFFF  }
0xc0: {  	[dreg:$0x0] =	wrdreg $0xFFFFFFFF;
	(pc) =	sbr.abs _section_cstart, $3  }
0xc1: {  	[dreg:$0x1] =	wrdreg $0xFFFFFFFF  }
0xc2: {  	_ =	task.clear_ibuf [dreg:s7], $0x2FFFF;
	_ =	strace $0x9FFFFFFF  }
0xc3: {  	(tm) =	ssettm $0x7FFFFFFF  }
tec
execute0_lowered:
.L_overlay_start_1:
0x0: {  	(tag) =	ssettag $0x1  }
0x1: {  	s4 =	rddreg [dreg:$0x0]  }
0x2: {  	s6 =	rddreg [dreg:$0x1]  }
0x3: {  	s2 =	rddreg [dreg:$0x2]  }
0x4: {  	s0 =	rddreg [dreg:$0x3]  }
0x5: {  	s5 =	srdreg.scid;
	s1 =	stileid.u32;
	s3 =	simm.s32 $0x0  }
0x6: {  	s11 =	simm.s32 $0x0;
	s5 =	sand.u32 $0x1, s5;
	s7 =	smul.u32 $0x500, s1  }
0x7: {  	[smem:$0x7FF] =	sst s3;
	s9 =	smul.u32 $0xA00, s1;
	s10 =	sadd.s32 $0x2E00, s4  }
0x8: {  	s8 =	sshll.u32 s5, $0x7;
	_ =	strace $0x80000047;
	s29 =	ssub.s32 $0x2, s5  }
0x9: {  	p0 =	seq.s32 s5, $0x1;
	s7 =	sor.u32 s8, s7;
	s30 =	sshrl.u32 s29, $0x1  }
0xa: {  	s31 =	sshrl.u32 s9, $0x2;
	s10 =	smov.u32 @p0 s6;
	s7 =	sshrl.u32 s7, $0x3  }
0xb: {  	s8 =	ssub.s32 s29, s30;
	s7 =	sadd.s32 s7, s4;
	s4 =	sadd.s32 s31, s2  }
0xc: {  	s6 =	smax.u32 s8, $0x1;
	s8 =	simm.s32 $0x100;
	s5 =	sadd.s32 $0xCE00, s7  }
0xd: {  	v0 =	vimm.f32 $1.000000000e+00;
	v1 =	vimm.f32 $0.0e+00;
	s7 =	sadd.s32 s9, s10;
	s9 =	simm.s32 $0x1;
	s10 =	simm.s32 $0x80  }
.LBB2_1:
0xe: {  	[tilespmem:$0x80] =	vst v0  }
0xf: {  	[tilespmem:$0x90] =	vst v0  }
0x10: {  	[tilespmem:$0xA0] =	vst v0  }
0x11: {  	[tilespmem:$0xB0] =	vst v0  }
0x12: {  	[tilespmem:$0xC0] =	vst v0  }
0x13: {  	[tilespmem:$0xD0] =	vst v0  }
0x14: {  	[tilespmem:$0xE0] =	vst v0  }
0x15: {  	[tilespmem:$0xF0] =	vst v0  }
0x16: {  	[tilespmem:$0x100] =	vst v1  }
0x17: {  	[tilespmem:$0x110] =	vst v1  }
0x18: {  	[tilespmem:$0x120] =	vst v1  }
0x19: {  	[tilespmem:$0x130] =	vst v1  }
0x1a: {  	[tilespmem:$0x140] =	vst v1  }
0x1b: {  	[tilespmem:$0x150] =	vst v1  }
0x1c: {  	[tilespmem:$0x160] =	vst v1  }
0x1d: {  	[tilespmem:$0x170] =	vst v1  }
0x1e: {  	[tilespmem:$0x180] =	vst v1  }
0x1f: {  	[tilespmem:$0x190] =	vst v1  }
0x20: {  	[tilespmem:$0x1A0] =	vst v1  }
0x21: {  	[tilespmem:$0x1B0] =	vst v1  }
0x22: {  	[tilespmem:$0x1C0] =	vst v1  }
0x23: {  	[tilespmem:$0x1D0] =	vst v1  }
0x24: {  	[tilespmem:$0x1E0] =	vst v1  }
0x25: {  	[tilespmem:$0x1F0] =	vst v1  }
0x26: {  	[tilespmem:$0x200] =	vst v1  }
0x27: {  	[tilespmem:$0x210] =	vst v1  }
0x28: {  	[tilespmem:$0x220] =	vst v1  }
0x29: {  	[tilespmem:$0x230] =	vst v1  }
0x2a: {  	[tilespmem:$0x240] =	vst v1  }
0x2b: {  	[tilespmem:$0x250] =	vst v1  }
0x2c: {  	[tilespmem:$0x260] =	vst v1  }
0x2d: {  	[tilespmem:$0x270] =	vst v1  }
0x2e: {  	[tilespmem:$0x280] =	vst v1  }
0x2f: {  	[tilespmem:$0x290] =	vst v1  }
0x30: {  	[tilespmem:$0x2A0] =	vst v1  }
0x31: {  	[tilespmem:$0x2B0] =	vst v1  }
0x32: {  	[tilespmem:$0x2C0] =	vst v1  }
0x33: {  	[tilespmem:$0x2D0] =	vst v1  }
0x34: {  	[tilespmem:$0x2E0] =	vst v1  }
0x35: {  	[tilespmem:$0x2F0] =	vst v1  }
0x36: {  	[tilespmem:$0x300] =	vst v1  }
0x37: {  	[tilespmem:$0x310] =	vst v1  }
0x38: {  	[tilespmem:$0x320] =	vst v1  }
0x39: {  	[tilespmem:$0x330] =	vst v1  }
0x3a: {  	[tilespmem:$0x340] =	vst v1  }
0x3b: {  	[tilespmem:$0x350] =	vst v1  }
0x3c: {  	[tilespmem:$0x360] =	vst v1  }
0x3d: {  	[tilespmem:$0x370] =	vst v1  }
0x3e: {  	[spmem:s4] =	stream.linear.scatter [tilespmem:s8], [sflag:$0x1], $0x280, $0x38;
	[tilespmem:$0x600] =	vst v63  }
0x3f: {  	_ =	swait.ge [sflag:s9], $0x280  }
0x40: {  	[sflag:s9] =	ssyncset.done $0x0  }
0x41: {  	[sflag:s9] =	ssyncadd.s32 $0xFFFFFD80  }
0x42: {  	s12 =	sadd.s32 $0x0, s7;
	[bflag:$0x0] =	sbarrier.arrive $0xFFFF  }
0x43: {  	[tilespmem:s3], [sflag:$0x1] =	stream.linear.gather [hbm4b:s12+s3], $0x80, $0x38;
	[tilespmem:$0x600] =	vst v63  }
0x44: {  	_ =	swait.ge [sflag:s9], $0x80  }
0x45: {  	[sflag:s9] =	ssyncset.done $0x0  }
0x46: {  	[sflag:s9] =	ssyncadd.s32 $0xFFFFFF80  }
0x47: {  	[spmem:s2] =	stream.indirect.scatter.add.f32 [tilespmem:s10], [sflag:$0x1], $0x1, s3, s10, $0xb8;
	[tilespmem:$0x600] =	vst v63  }
0x48: {  	_ =	swait.ge [sflag:s9], $0x80  }
0x49: {  	s13 =	simm.s32 $0x20;
	s12 =	simm.s32 $0x10;
	[sflag:s9] =	ssyncset.done $0x0  }
.LBB2_2:
0x4a: {  	s14 =	sadd.s32 s12, s7  }
0x4b: {  	[sflag:s9] =	ssyncadd.s32 $0xFFFFFF80;
	s12 =	smov.u32 s13;
	s15 =	sadd.s32 $0x10, s13  }
0x4c: {  	[tilespmem:s3], [sflag:$0x1] =	stream.linear.gather [hbm4b:s14+s3], $0x80, $0x38;
	[tilespmem:$0x600] =	vst v63  }
0x4d: {  	p0 =	sne.s32 s13, $0x9F0;
	_ =	swait.ge [sflag:s9], $0x80  }
.Ltmp0:
0x4e: {  	[sflag:s9] =	ssyncset.done $0x0;
	(pc) =	sbr.rel @p0 .LBB2_2-.Ltmp0, $4  }
0x4f: {  	[sflag:s9] =	ssyncadd.s32 $0xFFFFFF80  }
0x50: {  	[spmem:s2] =	stream.indirect.scatter.add.f32 [tilespmem:s10], [sflag:$0x1], $0x1, s3, s10, $0xb8;
	[tilespmem:$0x600] =	vst v63  }
0x51: {  	_ =	swait.ge [sflag:s9], $0x80  }
0x52: {  	s13 =	smov.u32 s15;
	[sflag:s9] =	ssyncset.done $0x0  }
0x53: {  	s12 =	sadd.s32 s12, s7;
	[sflag:s9] =	ssyncadd.s32 $0xFFFFFF80  }
0x54: {  	[tilespmem:s3], [sflag:$0x1] =	stream.linear.gather [hbm4b:s12+s3], $0x80, $0x38;
	[tilespmem:$0x600] =	vst v63  }
0x55: {  	_ =	swait.ge [sflag:s9], $0x80  }
0x56: {  	[sflag:s9] =	ssyncset.done $0x0  }
0x57: {  	[sflag:s9] =	ssyncadd.s32 $0xFFFFFF80  }
0x58: {  	[spmem:s2] =	stream.indirect.scatter.add.f32 [tilespmem:s10], [sflag:$0x1], $0x1, s3, s10, $0xb8;
	[tilespmem:$0x600] =	vst v63  }
0x59: {  	_ =	swait.ge [sflag:s9], $0x80  }
0x5a: {  	[sflag:s9] =	ssyncset.done $0x0  }
0x5b: {  	[sflag:s9] =	ssyncadd.s32 $0xFFFFFF80  }
0x5c: {  	[bflag:$0x0] =	sbarrier.arrive $0xFFFF  }
0x5d: {  	[tilespmem:s8], [sflag:$0x1] =	stream.linear.gather [spmem:s4], $0x280, $0x38;
	[tilespmem:$0x600] =	vst v63  }
0x5e: {  	s11 =	sadd.s32 $0x1, s11;
	_ =	swait.ge [sflag:s9], $0x280  }
0x5f: {  	p0 =	sne.s32 s11, s6;
	[sflag:s9] =	ssyncset.done $0x0  }
.Ltmp1:
0x60: {  	[sflag:s9] =	ssyncadd.s32 $0xFFFFFD80;
	(pc) =	sbr.rel @p0 .LBB2_1-.Ltmp1, $4  }
0x61: {  	[hbm4b:s5+s10] =	stream.strided.scatter [tilespmem:s8], [sflag:$0x1], $0x280, s8, s10, $0x38;
	[tilespmem:$0x600] =	vst v63  }
0x62: {  	_ =	swait.ge [sflag:s9], $0x280  }
0x63: {  	[sflag:s9] =	ssyncset.done $0x0  }
0x64: {  	[sflag:s9] =	ssyncadd.s32 $0xFFFFFD80  }
0x65: {  	_ =	sfence.sel $0x180000  }
0x66: {  	[bflag:$0x0] =	sbarrier.arrive $0xFFFF  }
0x67: {  	p0 =	sne.s32 s1, $0x0;
	_ =	strace $0x90000047  }
0x68: {  	s0 =	sadd.s32 @!p0 $0x100000, s0;
	[bflag:$0x2] =	sbarrier.arrive $0xFFFF  }
0x69: {  	[sflag:s0] =	ssyncadd.tile.s32 @!p0 $0x1;
	_ =	shalt  }
.Lfunc_end2:
_tile_overlayer_lowered:
.L_overlay_start_2:
0x6a: {  	(tag) =	ssettag $0x2  }
0x6b: {  	s0 =	rddreg [dreg:$0x0];
	s2 =	stileid.u32  }
0x6c: {  	s1 =	rddreg [dreg:$0x1];
	p0 =	sne.s32 s2, $0x0  }
0x6d: {  	s3 =	rddreg [dreg:$0x2];
	[bflag:$0x3] =	sbarrier.arrive $0xFFFF;
	s2 =	simm.s32 @!p0 $0x1C01  }
0x6e: {  	[timem:s3], [sflag:s2] =	dma.local @!p0 [hbm:s0], s1  }
0x6f: {  	s0 =	simm.s32 @!p0 $0x1  }
0x70: {  	_ =	swait.ge @!p0 [sflag:s0], s1  }
0x71: {  	s1 =	ssub.s32 @!p0 $0x0, s1;
	[sflag:s0] =	ssyncset.done @!p0 $0x0  }
0x72: {  	[sflag:s0] =	ssyncadd.s32 @!p0 s1  }
0x73: {  	[bflag:$0x3] =	sbarrier.arrive $0xFFFF  }
0x74: {  	_ =	shalt  }

// kernel: kernel.13.cloned.1.call-start
scs
__scs_entry_jumppad:
0x0: {  	(pc) =	sbr.rel $0x88, $3  }
0x1: {  	(tag) =	ssettag $0x0;
	lr =	simm.s32 $0x1  }
0x2: {  	[smem:$0x3F97] =	sst lr;
	_ =	strace $0xD0000000  }
0x3: {  	_ = 	snop  }
0x4: {  	_ = 	snop  }
0x5: {  	_ = 	snop  }
0x6: {  	_ = 	snop  }
0x7: {  	_ = 	snop  }
__scs_overlays_trampoline_lowered:
0x8: {  	[smem:$0x3FA6] =	sst s0  }
0x9: {  	[smem:$0x3FA7] =	sst s1  }
0xa: {  	[smem:$0x3FA8] =	sst s2  }
0xb: {  	[smem:$0x3FA9] =	sst s3  }
0xc: {  	[smem:$0x3FAA] =	sst s4  }
0xd: {  	[smem:$0x3FAB] =	sst s5  }
0xe: {  	[smem:$0x3FAC] =	sst s6  }
0xf: {  	[smem:$0x3FAD] =	sst s7  }
0x10: {  	[smem:$0x3FAE] =	sst s8  }
0x11: {  	[smem:$0x3FAF] =	sst s9;
	s0 =	simm.s32 @!p0 $0x0  }
0x12: {  	s1 =	sld [smem:$0x3F95];
	s0 =	simm.s32 @p0 $0x1  }
0x13: {  	[smem:$0x3FB0] =	sst s0;
	s0 =	simm.s32 @!p1 $0x0  }
0x14: {  	s2 =	sld [smem:$0x3F94];
	s0 =	simm.s32 @p1 $0x1  }
0x15: {  	[smem:$0x3FB1] =	sst s0;
	s0 =	simm.s32 @!p2 $0x0  }
0x16: {  	s3 =	sld [smem:$0x3FDB];
	s0 =	simm.s32 @p2 $0x1  }
0x17: {  	s4 =	simm.s32 $0x1BF5;
	[smem:$0x3FB3] =	sst s0  }
0x18: {  	s0 =	sld [smem:$0x3F96];
	_ =	swait.ge [sflag:s4], $0x0  }
0x19: {  	s7 =	sld [smem:$0x3F97]  }
0x1a: {  	s8 =	sadd.s32 $0xFFFFE003, lr  }
0x1b: {  	s9 =	sadd.s32 $0xFFFFFEF7, lr;
	s5 =	simm.s32 $0xFFFFFFFF;
	p2 =	slt.u32 s8, $0xFFFFF086  }
0x1c: {  	p1 =	slt.u32 s9, $0xF7A;
	s5 =	simm.s32 @!p2 $0x0  }
0x1d: {  	s5 =	simm.s32 @p1 $0x1;
	p0 =	seq.s32 s7, s2  }
0x1e: {  	s7 =	smul.u32 @!p0 $0xF7A, s2;
	p2 =	seq.s32 @!p0 s5, $0x0  }
0x1f: {  	s9 =	smul.u32 $0xF7A, s1;
	s8 =	simm.s32 @!p0 $0x1BF5;
	p2 =	por !p2, p0  }
0x20: {  	[sflag:s8] =	ssyncset.s32 @!p0 $0xFFFFF086;
	s6 =	sadd.s32 @!p0 s3, s7;
	s7 =	simm.s32 @!p0 $0x108  }
0x21: {  	s3 =	sadd.s32 s3, s9;
	s6 =	sadd.s32 @!p0 $0x88, s6;
	s7 =	simm.s32 @p2 $0x1082  }
0x22: {  	[simem:s7], [sflag:s8] =	dma.local @!p0 [hbm:s6], $0xF7A  }
0x23: {  	s9 =	sor.u32 $0xD0000000, s2;
	s6 =	simm.s32 $0x108;
	_ =	swait.ge @!p0 [sflag:s8], $0x0  }
0x24: {  	s3 =	sadd.s32 $0x88, s3;
	s6 =	simm.s32 @!p1 $0x1082;
	[sflag:s4] =	ssyncset.s32 $0xFFFFF086  }
0x25: {  	[simem:s6], [sflag:s4] =	dma.local [hbm:s3], $0xF7A  }
0x26: {  	[smem:$0x3F97] =	sst s1;
	(tag) =	ssettag s2;
	_ =	strace s9  }
0x27: {  	s1 =	sld [smem:$0x3FA7]  }
0x28: {  	s2 =	sld [smem:$0x3FA8]  }
0x29: {  	s4 =	sld [smem:$0x3FAA]  }
0x2a: {  	p0 =	seq.s32 s5, $0x0;
	s5 =	sld [smem:$0x3FAB]  }
0x2b: {  	s6 =	sld [smem:$0x3FAC]  }
0x2c: {  	s7 =	sld [smem:$0x3FAD]  }
0x2d: {  	s3 =	simm.s32 $0x108;
	s8 =	sld [smem:$0x3FAE]  }
0x2e: {  	s3 =	simm.s32 @!p0 $0x1082;
	s9 =	sld [smem:$0x3FAF]  }
0x2f: {  	lr =	sadd.s32 s0, s3;
	s0 =	sld [smem:$0x3FA6]  }
0x30: {  	s3 =	sld [smem:$0x3FA9]  }
0x31: {  	[smem:$0x3FB2] =	sst s10  }
0x32: {  	s10 =	sld [smem:$0x3FB0];
	_ =	sdelay $0x3  }
0x33: {  	p0 =	seq.s32 s10, $0x1;
	s10 =	sld [smem:$0x3FB2];
	_ =	sdelay $0x3  }
0x34: {  	[smem:$0x3FB2] =	sst s10  }
0x35: {  	s10 =	sld [smem:$0x3FB1];
	_ =	sdelay $0x3  }
0x36: {  	p1 =	seq.s32 s10, $0x1;
	s10 =	sld [smem:$0x3FB2];
	_ =	sdelay $0x3  }
0x37: {  	[smem:$0x3FB2] =	sst s10  }
0x38: {  	s10 =	sld [smem:$0x3FB3]  }
0x39: {  	_ = 	snop;
	(pc) =	sbr.ind lr, $3  }
0x3a: {  	_ = 	snop  }
0x3b: {  	_ = 	snop  }
0x3c: {  	p2 =	seq.s32 s10, $0x1;
	s10 =	sld [smem:$0x3FB2]  }
0x3d: {  	_ =	shalt  }
0x3e: {  	_ =	shalt  }
0x3f: {  	_ =	shalt  }
0x40: {  	_ =	shalt  }
0x41: {  	_ =	shalt  }
0x42: {  	_ =	shalt  }
0x43: {  	_ =	shalt  }
0x44: {  	_ =	shalt  }
0x45: {  	_ =	shalt  }
0x46: {  	_ =	shalt  }
0x47: {  	_ =	shalt  }
0x48: {  	_ =	shalt  }
0x49: {  	_ =	shalt  }
0x4a: {  	_ =	shalt  }
0x4b: {  	_ =	shalt  }
0x4c: {  	_ =	shalt  }
0x4d: {  	_ =	shalt  }
0x4e: {  	_ =	shalt  }
0x4f: {  	_ =	shalt  }
0x50: {  	_ =	shalt  }
0x51: {  	_ =	shalt  }
0x52: {  	_ =	shalt  }
0x53: {  	_ =	shalt  }
0x54: {  	_ =	shalt  }
0x55: {  	_ =	shalt  }
0x56: {  	_ =	shalt  }
0x57: {  	_ =	shalt  }
0x58: {  	_ =	shalt  }
0x59: {  	_ =	shalt  }
0x5a: {  	_ =	shalt  }
0x5b: {  	_ =	shalt  }
0x5c: {  	_ =	shalt  }
0x5d: {  	_ =	shalt  }
0x5e: {  	_ =	shalt  }
0x5f: {  	_ =	shalt  }
0x60: {  	_ =	shalt  }
0x61: {  	_ =	shalt  }
0x62: {  	_ =	shalt  }
0x63: {  	_ =	shalt  }
0x64: {  	_ =	shalt  }
0x65: {  	_ =	shalt  }
0x66: {  	_ =	shalt  }
0x67: {  	_ =	shalt  }
0x68: {  	_ =	shalt  }
0x69: {  	_ =	shalt  }
0x6a: {  	_ =	shalt  }
0x6b: {  	_ =	shalt  }
0x6c: {  	_ =	shalt  }
0x6d: {  	_ =	shalt  }
0x6e: {  	_ =	shalt  }
0x6f: {  	_ =	shalt  }
0x70: {  	_ =	shalt  }
0x71: {  	_ =	shalt  }
0x72: {  	_ =	shalt  }
0x73: {  	_ =	shalt  }
0x74: {  	_ =	shalt  }
0x75: {  	_ =	shalt  }
0x76: {  	_ =	shalt  }
0x77: {  	_ =	shalt  }
0x78: {  	_ =	shalt  }
0x79: {  	_ =	shalt  }
0x7a: {  	_ =	shalt  }
0x7b: {  	_ =	shalt  }
0x7c: {  	_ =	shalt  }
0x7d: {  	_ =	shalt  }
0x7e: {  	_ =	shalt  }
0x7f: {  	_ =	shalt  }
0x80: {  	_ =	shalt  }
0x81: {  	_ =	shalt  }
0x82: {  	_ =	shalt  }
0x83: {  	_ =	shalt  }
0x84: {  	_ =	shalt  }
0x85: {  	_ =	shalt  }
0x86: {  	_ =	shalt  }
0x87: {  	_ =	shalt  }
.Lfunc_end0:
.L_simem_size_0:
called_computation.1_lowered:
.L_overlay_start_0:
0x88: {  	s2 =	sld [smem:$0x3FD9]  }
0x89: {  	s3 =	sld [smem:$0x3FFE];
	_ =	sdelay $0x1  }
0x8a: {  	s1 =	srdreg.scid  }
0x8b: {  	s0 =	sand.u32 $0x1, s1  }
0x8c: {  	s17 =	sshll.u32 s0, $0xA;
	s2 =	sadd.s32 s3, s2  }
0x8d: {  	s2 =	sadd.s32 s2, s17  }
0x8e: {  	[smem:$0x3FBE] =	sst s2  }
0x8f: {  	_ = 	snop  }
0x90: {  	s2 =	sld [smem:$0x3FD0];
	(tm) =	ssettm $0x1  }
0x91: {  	s18 =	sld [smem:$0x3FFB];
	_ =	sdelay $0x3  }
0x92: {  	_ =	strace s18  }
0x93: {  	s3 =	sld [smem:$0x3FFC];
	_ =	sdelay $0x3  }
0x94: {  	_ =	strace s3  }
0x95: {  	s3 =	sld [smem:$0x3FFD];
	_ =	sdelay $0x3  }
0x96: {  	_ =	strace s3  }
0x97: {  	_ =	strace $0x8FFFFFFF  }
0x98: {  	s19 =	sld [smem:$0x3FDB];
	_ =	sdelay $0x1  }
0x99: {  	s4 =	simm.s32 $_scs_section_size  }
0x9a: {  	s5 =	simm.s32 $_size__tile_overlayer_lowered;
	s6 =	simm.s32 $_tile_overlayer_lowered  }
0x9b: {  	s22 =	simm.s32 $0x1BFF;
	s21 =	sshll.u32 s6, $0x1;
	s3 =	sadd.s32 s4, s19  }
0x9c: {  	s7 =	simm.s32 $0x0;
	s20 =	sshll.u32 s5, $0x1;
	s5 =	sadd.s32 s21, s3  }
0x9d: {  	[timem:s7], [sflag:s22] =	dma.local [hbm:s5], s20  }
0x9e: {  	_ =	swait.ge [sflag:s22], s20  }
0x9f: {  	s4 =	ssub.s32 $0x0, s20;
	[sflag:s22] =	ssyncset.done $0x0  }
0xa0: {  	[sflag:s22] =	ssyncadd.s32 s4;
	_ =	sdelay $0x1  }
0xa1: {  	s23 =	simm.s32 $0x1B8B  }
0xa2: {  	_ =	swait.ge [sflag:s23], $0x1  }
0xa3: {  	[sflag:s23] =	ssyncset.done $0x0  }
0xa4: {  	s25 =	simm.s32 $0x1B8E;
	s24 =	sld [smem:$0x3FFE];
	[sflag:s23] =	ssyncadd.s32 $0xFFFFFFFF  }
0xa5: {  	s26 =	simm.s32 $execute0_lowered;
	[smem:$0x3FD2] =	sst s25  }
0xa6: {  	s5 =	sshll.u32 s26, $0x1;
	_ =	strace $0x80000049;
	[dreg:$0x1] =	wrdreg $0xFFFFFFFF  }
0xa7: {  	s28 =	simm.s32 $_size_execute0_lowered;
	s3 =	sadd.s32 s3, s5;
	[dreg:$0x0] =	wrdreg $0x0  }
0xa8: {  	s5 =	sshll.u32 s28, $0x1;
	[dreg:$0x2] =	wrdreg s3  }
0xa9: {  	[dreg:$0x3] =	wrdreg s5  }
0xaa: {  	[dreg:$0x4] =	wrdreg $0xC0  }
0xab: {  	_ =	task [dreg:s7], $0x5FFFF  }
0xac: {  	[dreg:$0x1] =	wrdreg $0xFFFFFFFF  }
0xad: {  	[dreg:$0x0] =	wrdreg $0x60  }
0xae: {  	[dreg:$0x2] =	wrdreg s24  }
0xaf: {  	[dreg:$0x3] =	wrdreg s2  }
0xb0: {  	[dreg:$0x4] =	wrdreg $0x81000  }
0xb1: {  	[dreg:$0x5] =	wrdreg $0x9  }
0xb2: {  	_ =	task.clear_ibuf [dreg:s7], $0x6FFFF;
	_ =	strace $0x90000049  }
0xb3: {  	s29 =	simm.s32 $0x9;
	_ =	strace $0x8000004B  }
0xb4: {  	_ =	swait.ge [sflag:s29], $0x1  }
0xb5: {  	[sflag:s29] =	ssyncadd.s32 $0xFFFFFFFF  }
0xb6: {  	_ =	strace $0x9000004B  }
0xb7: {  	_ =	sfence  }
0xb8: {  	s30 =	sld [smem:$0x0];
	_ =	sdelay $0x2  }
0xb9: {  	s31 =	sshll.u32 s1, $0xD;
	s1 =	sshrl.u32 s1, $0x2  }
0xba: {  	s3 =	sand.u32 $0x4000, s31;
	s1 =	sadd.s32 s1, s30  }
0xbb: {  	s0 =	sor.u32 s3, s0;
	s1 =	sshll.u32 s1, $0x11  }
0xbc: {  	s0 =	sor.u32 s1, s0  }
0xbd: {  	s0 =	sadd.s32 $0x8F2B, s0  }
0xbe: {  	[sflag:s0] =	ssyncadd.remote.s32 $0x1  }
0xbf: {  	_ =	sfence.sel $0xFFFF  }
0xc0: {  	[dreg:$0x0] =	wrdreg $0xFFFFFFFF;
	(pc) =	sbr.abs _section_cstart, $3  }
0xc1: {  	[dreg:$0x1] =	wrdreg $0xFFFFFFFF  }
0xc2: {  	_ =	task.clear_ibuf [dreg:s7], $0x2FFFF;
	_ =	strace $0x9FFFFFFF  }
0xc3: {  	(tm) =	ssettm $0x7FFFFFFF  }
tec
execute0_lowered:
.L_overlay_start_1:
0x0: {  	(tag) =	ssettag $0x1  }
0x1: {  	s5 =	rddreg [dreg:$0x0]  }
0x2: {  	s19 =	rddreg [dreg:$0x1];
	s0 =	stileid.u32  }
0x3: {  	s2 =	rddreg [dreg:$0x2];
	s3 =	simm.s32 $0x0;
	s20 =	smul.u32 $0xA00, s0  }
0x4: {  	s6 =	srdreg.scid;
	s28 =	simm.s32 $0x0;
	s30 =	smul.u32 $0x50000, s0  }
0x5: {  	[smem:$0x7FF] =	sst s3;
	s17 =	sand.u32 $0x1, s6;
	s18 =	smul.u32 $0x14000, s0  }
0x6: {  	s4 =	sadd.s32 $0xCE00, s5;
	s22 =	sadd.s32 $0x34E00, s5;
	s23 =	smul.u32 $0x140000, s17  }
0x7: {  	_ =	strace $0x8000004A;
	s31 =	ssub.s32 $0x2, s17;
	s26 =	smul.u32 $0x500, s17  }
0x8: {  	s21 =	sadd.s32 s20, s5;
	s7 =	sshrl.u32 s31, $0x1;
	s6 =	sshrl.u32 s30, $0x2  }
0x9: {  	s12 =	sadd.s32 $0x4000, s18;
	s14 =	sadd.s32 $0x8000, s18;
	s24 =	sadd.s32 $0xC000, s18  }
0xa: {  	s25 =	sadd.s32 $0x10000, s18;
	s20 =	sadd.s32 s20, s19;
	s7 =	ssub.s32 s31, s7  }
0xb: {  	s5 =	sadd.s32 s6, s2;
	s11 =	sadd.s32 s23, s18;
	s13 =	sadd.s32 s23, s12  }
0xc: {  	s12 =	sadd.s32 s12, s2;
	s15 =	sadd.s32 s23, s14;
	s14 =	sadd.s32 s14, s2  }
0xd: {  	s16 =	sadd.s32 s24, s2;
	s24 =	sadd.s32 s23, s24;
	s18 =	sadd.s32 s25, s2  }
0xe: {  	s23 =	sadd.s32 s23, s25;
	s21 =	sadd.s32 s26, s21;
	s20 =	sadd.s32 s26, s20  }
0xf: {  	s25 =	simm.s32 $0x100;
	s26 =	simm.s32 $0x1;
	s6 =	smax.u32 s7, $0x1  }
0x10: {  	s7 =	sadd.s32 $0x4000, s5;
	s8 =	sadd.s32 $0x8000, s5;
	s9 =	sadd.s32 $0xC000, s5  }
0x11: {  	s10 =	sadd.s32 $0x10000, s5;
	s11 =	sshrl.u32 s11, $0x3;
	s13 =	sshrl.u32 s13, $0x3  }
0x12: {  	s15 =	sshrl.u32 s15, $0x3;
	s24 =	sshrl.u32 s24, $0x3;
	s23 =	sshrl.u32 s23, $0x3  }
0x13: {  	s21 =	sadd.s32 $0x2E00, s21;
	s11 =	sadd.s32 s22, s11;
	s13 =	sadd.s32 s22, s13  }
0x14: {  	s15 =	sadd.s32 s22, s15;
	s17 =	sadd.s32 s22, s24;
	s19 =	sadd.s32 s22, s23  }
0x15: {  	v0 =	vimm.f32 $0.0e+00;
	s22 =	simm.s32 $0x4100;
	s23 =	simm.s32 $0x2;
	s24 =	simm.s32 $0x80  }
.LBB2_1:
0x16: {  	s29 =	sand.u32 $0xFE00, s3  }
0x17: {  	s30 =	sand.u32 $0x70, s3;
	s31 =	sshrl.u32 s29, $0x2  }
0x18: {  	s29 =	simm.s32 $0x40;
	s31 =	sor.u32 s30, s31;
	s30 =	simm.s32 $0x0  }
.LBB2_2:
0x19: {  	p0 =	sne.s32 s29, $0xFFC0  }
0x1a: {  	[tilespmem:s31+$0x4100] =	vst v0;
	s30 =	sadd.s32 $0x10, s30;
	s31 =	smov.u32 s29;
	s29 =	sadd.s32 $0x40, s29  }
.Ltmp0:
0x1b: {  	(pc) =	sbr.rel @p0 .LBB2_2-.Ltmp0, $4  }
0x1c: {  	_ = 	snop  }
0x1d: {  	s31 =	sand.u32 $0xFE00, s31  }
0x1e: {  	s0 =	sand.u32 $0x70, s30;
	s31 =	sshrl.u32 s31, $0x2  }
0x1f: {  	s31 =	sor.u32 s0, s31  }
0x20: {  	[tilespmem:s31+$0x4100] =	vst v0  }
0x21: {  	[spmem:s5] =	stream.linear.scatter [tilespmem:s22], [sflag:$0x2], $0x4000, $0x38;
	[tilespmem:$0x1C100] =	vst v63  }
0x22: {  	_ =	swait.ge [sflag:s23], $0x4000  }
0x23: {  	[sflag:s23] =	ssyncset.done $0x0  }
0x24: {  	[sflag:s23] =	ssyncadd.s32 $0xFFFFC000  }
0x25: {  	[spmem:s7] =	stream.linear.scatter [tilespmem:s22], [sflag:$0x2], $0x4000, $0x38;
	[tilespmem:$0x1C100] =	vst v63  }
0x26: {  	_ =	swait.ge [sflag:s23], $0x4000  }
0x27: {  	[sflag:s23] =	ssyncset.done $0x0  }
0x28: {  	[sflag:s23] =	ssyncadd.s32 $0xFFFFC000  }
0x29: {  	[spmem:s8] =	stream.linear.scatter [tilespmem:s22], [sflag:$0x2], $0x4000, $0x38;
	[tilespmem:$0x1C100] =	vst v63  }
0x2a: {  	_ =	swait.ge [sflag:s23], $0x4000  }
0x2b: {  	[sflag:s23] =	ssyncset.done $0x0  }
0x2c: {  	[sflag:s23] =	ssyncadd.s32 $0xFFFFC000  }
0x2d: {  	[spmem:s9] =	stream.linear.scatter [tilespmem:s22], [sflag:$0x2], $0x4000, $0x38;
	[tilespmem:$0x1C100] =	vst v63  }
0x2e: {  	_ =	swait.ge [sflag:s23], $0x4000  }
0x2f: {  	[sflag:s23] =	ssyncset.done $0x0  }
0x30: {  	[sflag:s23] =	ssyncadd.s32 $0xFFFFC000  }
0x31: {  	[spmem:s10] =	stream.linear.scatter [tilespmem:s22], [sflag:$0x2], $0x4000, $0x38;
	[tilespmem:$0x1C100] =	vst v63  }
0x32: {  	_ =	swait.ge [sflag:s23], $0x4000  }
0x33: {  	[sflag:s23] =	ssyncset.done $0x0  }
0x34: {  	[sflag:s23] =	ssyncadd.s32 $0xFFFFC000  }
0x35: {  	s0 =	sadd.s32 $0x0, s21;
	[bflag:$0x0] =	sbarrier.arrive $0xFFFF  }
0x36: {  	[tilespmem:s3], [sflag:$0x2] =	stream.linear.gather [hbm4b:s0+s3], $0x80, $0x38;
	[tilespmem:$0x1C100] =	vst v63  }
0x37: {  	_ =	swait.ge [sflag:s23], $0x80  }
0x38: {  	[sflag:s23] =	ssyncset.done $0x0  }
0x39: {  	[sflag:s23] =	ssyncadd.s32 $0xFFFFFF80  }
0x3a: {  	[tilespmem:s25], [sflag:$0x1] =	stream.indirect.gather [hbm4b:s4+s24], $0x80, s3, s24, $0xb8;
	[tilespmem:$0x1C100] =	vst v63  }
0x3b: {  	s31 =	sadd.s32 $0x0, s20  }
0x3c: {  	[tilespmem:s24], [sflag:$0x2] =	stream.linear.gather [hbm4b:s31+s3], $0x80, $0x38;
	[tilespmem:$0x1C100] =	vst v63  }
0x3d: {  	_ =	swait.ge [sflag:s23], $0x80  }
0x3e: {  	[sflag:s23] =	ssyncset.done $0x0  }
0x3f: {  	[sflag:s23] =	ssyncadd.s32 $0xFFFFFF80  }
0x40: {  	_ =	swait.ge [sflag:s26], $0x4000  }
0x41: {  	[sflag:s26] =	ssyncset.done $0x0  }
0x42: {  	[sflag:s26] =	ssyncadd.s32 $0xFFFFC000  }
0x43: {  	[spmem:s2] =	stream.indirect.scatter.add.f32 [tilespmem:s25], [sflag:$0x2], $0x80, s24, s24, $0xb8;
	[tilespmem:$0x1C100] =	vst v63  }
0x44: {  	_ =	swait.ge [sflag:s23], $0x4000  }
0x45: {  	s29 =	simm.s32 $0x10;
	s30 =	simm.s32 $0x20;
	[sflag:s23] =	ssyncset.done $0x0  }
.LBB2_4:
0x46: {  	s0 =	sadd.s32 s29, s21  }
0x47: {  	[sflag:s23] =	ssyncadd.s32 $0xFFFFC000;
	s31 =	smov.u32 s30;
	s1 =	sadd.s32 $0x10, s30  }
0x48: {  	[tilespmem:s3], [sflag:$0x2] =	stream.linear.gather [hbm4b:s0+s3], $0x80, $0x38;
	[tilespmem:$0x1C100] =	vst v63  }
0x49: {  	p0 =	sne.s32 s30, $0x4F0;
	_ =	swait.ge [sflag:s23], $0x80  }
0x4a: {  	[sflag:s23] =	ssyncset.done $0x0  }
0x4b: {  	[sflag:s23] =	ssyncadd.s32 $0xFFFFFF80  }
0x4c: {  	[tilespmem:s25], [sflag:$0x1] =	stream.indirect.gather [hbm4b:s4+s24], $0x80, s3, s24, $0xb8;
	[tilespmem:$0x1C100] =	vst v63  }
0x4d: {  	s0 =	sadd.s32 s29, s20;
	s29 =	smov.u32 s31  }
0x4e: {  	[tilespmem:s24], [sflag:$0x2] =	stream.linear.gather [hbm4b:s0+s3], $0x80, $0x38;
	[tilespmem:$0x1C100] =	vst v63  }
0x4f: {  	_ =	swait.ge [sflag:s23], $0x80  }
0x50: {  	[sflag:s23] =	ssyncset.done $0x0  }
0x51: {  	[sflag:s23] =	ssyncadd.s32 $0xFFFFFF80  }
0x52: {  	_ =	swait.ge [sflag:s26], $0x4000  }
.Ltmp1:
0x53: {  	[sflag:s26] =	ssyncset.done $0x0;
	(pc) =	sbr.rel @p0 .LBB2_4-.Ltmp1, $4  }
0x54: {  	[sflag:s26] =	ssyncadd.s32 $0xFFFFC000  }
0x55: {  	[spmem:s2] =	stream.indirect.scatter.add.f32 [tilespmem:s25], [sflag:$0x2], $0x80, s24, s24, $0xb8;
	[tilespmem:$0x1C100] =	vst v63  }
0x56: {  	_ =	swait.ge [sflag:s23], $0x4000  }
0x57: {  	s30 =	smov.u32 s1;
	[sflag:s23] =	ssyncset.done $0x0  }
0x58: {  	s0 =	sadd.s32 s29, s21;
	[sflag:s23] =	ssyncadd.s32 $0xFFFFC000  }
0x59: {  	[tilespmem:s3], [sflag:$0x2] =	stream.linear.gather [hbm4b:s0+s3], $0x80, $0x38;
	[tilespmem:$0x1C100] =	vst v63  }
0x5a: {  	_ =	swait.ge [sflag:s23], $0x80  }
0x5b: {  	[sflag:s23] =	ssyncset.done $0x0  }
0x5c: {  	[sflag:s23] =	ssyncadd.s32 $0xFFFFFF80  }
0x5d: {  	[tilespmem:s25], [sflag:$0x1] =	stream.indirect.gather [hbm4b:s4+s24], $0x80, s3, s24, $0xb8;
	[tilespmem:$0x1C100] =	vst v63  }
0x5e: {  	s31 =	sadd.s32 s29, s20  }
0x5f: {  	[tilespmem:s24], [sflag:$0x2] =	stream.linear.gather [hbm4b:s31+s3], $0x80, $0x38;
	[tilespmem:$0x1C100] =	vst v63  }
0x60: {  	_ =	swait.ge [sflag:s23], $0x80  }
0x61: {  	[sflag:s23] =	ssyncset.done $0x0  }
0x62: {  	[sflag:s23] =	ssyncadd.s32 $0xFFFFFF80  }
0x63: {  	_ =	swait.ge [sflag:s26], $0x4000  }
0x64: {  	[sflag:s26] =	ssyncset.done $0x0  }
0x65: {  	[sflag:s26] =	ssyncadd.s32 $0xFFFFC000  }
0x66: {  	[spmem:s2] =	stream.indirect.scatter.add.f32 [tilespmem:s25], [sflag:$0x2], $0x80, s24, s24, $0xb8;
	[tilespmem:$0x1C100] =	vst v63  }
0x67: {  	_ =	swait.ge [sflag:s23], $0x4000  }
0x68: {  	[sflag:s23] =	ssyncset.done $0x0  }
0x69: {  	[sflag:s23] =	ssyncadd.s32 $0xFFFFC000  }
0x6a: {  	[bflag:$0x0] =	sbarrier.arrive $0xFFFF  }
0x6b: {  	[tilespmem:s22], [sflag:$0x2] =	stream.linear.gather [spmem:s5], $0x4000, $0x38;
	[tilespmem:$0x1C100] =	vst v63  }
0x6c: {  	_ =	swait.ge [sflag:s23], $0x4000  }
0x6d: {  	[sflag:s23] =	ssyncset.done $0x0  }
0x6e: {  	[sflag:s23] =	ssyncadd.s32 $0xFFFFC000  }
0x6f: {  	[hbm4b:s11+s3] =	stream.linear.scatter [tilespmem:s22], [sflag:$0x2], $0x4000, $0x38;
	[tilespmem:$0x1C100] =	vst v63  }
0x70: {  	_ =	swait.ge [sflag:s23], $0x4000  }
0x71: {  	[sflag:s23] =	ssyncset.done $0x0  }
0x72: {  	[sflag:s23] =	ssyncadd.s32 $0xFFFFC000  }
0x73: {  	[tilespmem:s22], [sflag:$0x2] =	stream.linear.gather [spmem:s12], $0x4000, $0x38;
	[tilespmem:$0x1C100] =	vst v63  }
0x74: {  	_ =	swait.ge [sflag:s23], $0x4000  }
0x75: {  	[sflag:s23] =	ssyncset.done $0x0  }
0x76: {  	[sflag:s23] =	ssyncadd.s32 $0xFFFFC000  }
0x77: {  	[hbm4b:s13+s3] =	stream.linear.scatter [tilespmem:s22], [sflag:$0x2], $0x4000, $0x38;
	[tilespmem:$0x1C100] =	vst v63  }
0x78: {  	_ =	swait.ge [sflag:s23], $0x4000  }
0x79: {  	[sflag:s23] =	ssyncset.done $0x0  }
0x7a: {  	[sflag:s23] =	ssyncadd.s32 $0xFFFFC000  }
0x7b: {  	[tilespmem:s22], [sflag:$0x2] =	stream.linear.gather [spmem:s14], $0x4000, $0x38;
	[tilespmem:$0x1C100] =	vst v63  }
0x7c: {  	_ =	swait.ge [sflag:s23], $0x4000  }
0x7d: {  	[sflag:s23] =	ssyncset.done $0x0  }
0x7e: {  	[sflag:s23] =	ssyncadd.s32 $0xFFFFC000  }
0x7f: {  	[hbm4b:s15+s3] =	stream.linear.scatter [tilespmem:s22], [sflag:$0x2], $0x4000, $0x38;
	[tilespmem:$0x1C100] =	vst v63  }
0x80: {  	_ =	swait.ge [sflag:s23], $0x4000  }
0x81: {  	[sflag:s23] =	ssyncset.done $0x0  }
0x82: {  	[sflag:s23] =	ssyncadd.s32 $0xFFFFC000  }
0x83: {  	[tilespmem:s22], [sflag:$0x2] =	stream.linear.gather [spmem:s16], $0x4000, $0x38;
	[tilespmem:$0x1C100] =	vst v63  }
0x84: {  	_ =	swait.ge [sflag:s23], $0x4000  }
0x85: {  	[sflag:s23] =	ssyncset.done $0x0  }
0x86: {  	[sflag:s23] =	ssyncadd.s32 $0xFFFFC000  }
0x87: {  	[hbm4b:s17+s3] =	stream.linear.scatter [tilespmem:s22], [sflag:$0x2], $0x4000, $0x38;
	[tilespmem:$0x1C100] =	vst v63  }
0x88: {  	_ =	swait.ge [sflag:s23], $0x4000  }
0x89: {  	[sflag:s23] =	ssyncset.done $0x0  }
0x8a: {  	[sflag:s23] =	ssyncadd.s32 $0xFFFFC000  }
0x8b: {  	[tilespmem:s22], [sflag:$0x2] =	stream.linear.gather [spmem:s18], $0x4000, $0x38;
	[tilespmem:$0x1C100] =	vst v63  }
0x8c: {  	s28 =	sadd.s32 $0x1, s28;
	_ =	swait.ge [sflag:s23], $0x4000  }
0x8d: {  	p0 =	sne.s32 s28, s6;
	[sflag:s23] =	ssyncset.done $0x0  }
.Ltmp2:
0x8e: {  	[sflag:s23] =	ssyncadd.s32 $0xFFFFC000;
	(pc) =	sbr.rel @p0 .LBB2_1-.Ltmp2, $4  }
0x8f: {  	[hbm4b:s19+s3] =	stream.linear.scatter [tilespmem:s22], [sflag:$0x2], $0x4000, $0x38;
	[tilespmem:$0x1C100] =	vst v63  }
0x90: {  	_ =	swait.ge [sflag:s23], $0x4000  }
0x91: {  	[sflag:s23] =	ssyncset.done $0x0  }
0x92: {  	[sflag:s23] =	ssyncadd.s32 $0xFFFFC000  }
0x93: {  	_ =	sfence.sel $0x180000  }
0x94: {  	[bflag:$0x0] =	sbarrier.arrive $0xFFFF  }
0x95: {  	_ =	strace $0x9000004A  }
0x96: {  	s0 =	stileid.u32;
	[bflag:$0x2] =	sbarrier.arrive $0xFFFF  }
0x97: {  	p0 =	sne.s32 s0, $0x0;
	s0 =	rddreg [dreg:$0x3]  }
0x98: {  	s0 =	sadd.s32 @!p0 $0x100000, s0  }
0x99: {  	[sflag:s0] =	ssyncadd.tile.s32 @!p0 $0x1;
	_ =	shalt  }
.Lfunc_end2:
_tile_overlayer_lowered:
.L_overlay_start_2:
0x9a: {  	(tag) =	ssettag $0x2  }
0x9b: {  	s0 =	rddreg [dreg:$0x0];
	s2 =	stileid.u32  }
0x9c: {  	s1 =	rddreg [dreg:$0x1];
	p0 =	sne.s32 s2, $0x0  }
0x9d: {  	s3 =	rddreg [dreg:$0x2];
	[bflag:$0x3] =	sbarrier.arrive $0xFFFF;
	s2 =	simm.s32 @!p0 $0x1C02  }
0x9e: {  	[timem:s3], [sflag:s2] =	dma.local @!p0 [hbm:s0], s1  }
0x9f: {  	s0 =	simm.s32 @!p0 $0x2  }
0xa0: {  	_ =	swait.ge @!p0 [sflag:s0], s1  }
0xa1: {  	s1 =	ssub.s32 @!p0 $0x0, s1;
	[sflag:s0] =	ssyncset.done @!p0 $0x0  }
0xa2: {  	[sflag:s0] =	ssyncadd.s32 @!p0 s1  }
0xa3: {  	[bflag:$0x3] =	sbarrier.arrive $0xFFFF  }
0xa4: {  	_ =	shalt  }

// kernel: kernel.16.cloned.1.call-start
scs
__scs_entry_jumppad:
0x0: {  	(pc) =	sbr.rel $0x88, $3  }
0x1: {  	(tag) =	ssettag $0x0;
	lr =	simm.s32 $0x1  }
0x2: {  	[smem:$0x3F97] =	sst lr;
	_ =	strace $0xD0000000  }
0x3: {  	_ = 	snop  }
0x4: {  	_ = 	snop  }
0x5: {  	_ = 	snop  }
0x6: {  	_ = 	snop  }
0x7: {  	_ = 	snop  }
__scs_overlays_trampoline_lowered:
0x8: {  	[smem:$0x3FA6] =	sst s0  }
0x9: {  	[smem:$0x3FA7] =	sst s1  }
0xa: {  	[smem:$0x3FA8] =	sst s2  }
0xb: {  	[smem:$0x3FA9] =	sst s3  }
0xc: {  	[smem:$0x3FAA] =	sst s4  }
0xd: {  	[smem:$0x3FAB] =	sst s5  }
0xe: {  	[smem:$0x3FAC] =	sst s6  }
0xf: {  	[smem:$0x3FAD] =	sst s7  }
0x10: {  	[smem:$0x3FAE] =	sst s8  }
0x11: {  	[smem:$0x3FAF] =	sst s9;
	s0 =	simm.s32 @!p0 $0x0  }
0x12: {  	s1 =	sld [smem:$0x3F95];
	s0 =	simm.s32 @p0 $0x1  }
0x13: {  	[smem:$0x3FB0] =	sst s0;
	s0 =	simm.s32 @!p1 $0x0  }
0x14: {  	s2 =	sld [smem:$0x3F94];
	s0 =	simm.s32 @p1 $0x1  }
0x15: {  	[smem:$0x3FB1] =	sst s0;
	s0 =	simm.s32 @!p2 $0x0  }
0x16: {  	s3 =	sld [smem:$0x3FDB];
	s0 =	simm.s32 @p2 $0x1  }
0x17: {  	s4 =	simm.s32 $0x1BF5;
	[smem:$0x3FB3] =	sst s0  }
0x18: {  	s0 =	sld [smem:$0x3F96];
	_ =	swait.ge [sflag:s4], $0x0  }
0x19: {  	s7 =	sld [smem:$0x3F97]  }
0x1a: {  	s8 =	sadd.s32 $0xFFFFE003, lr  }
0x1b: {  	s9 =	sadd.s32 $0xFFFFFEF7, lr;
	s5 =	simm.s32 $0xFFFFFFFF;
	p2 =	slt.u32 s8, $0xFFFFF086  }
0x1c: {  	p1 =	slt.u32 s9, $0xF7A;
	s5 =	simm.s32 @!p2 $0x0  }
0x1d: {  	s5 =	simm.s32 @p1 $0x1;
	p0 =	seq.s32 s7, s2  }
0x1e: {  	s7 =	smul.u32 @!p0 $0xF7A, s2;
	p2 =	seq.s32 @!p0 s5, $0x0  }
0x1f: {  	s9 =	smul.u32 $0xF7A, s1;
	s8 =	simm.s32 @!p0 $0x1BF5;
	p2 =	por !p2, p0  }
0x20: {  	[sflag:s8] =	ssyncset.s32 @!p0 $0xFFFFF086;
	s6 =	sadd.s32 @!p0 s3, s7;
	s7 =	simm.s32 @!p0 $0x108  }
0x21: {  	s3 =	sadd.s32 s3, s9;
	s6 =	sadd.s32 @!p0 $0x88, s6;
	s7 =	simm.s32 @p2 $0x1082  }
0x22: {  	[simem:s7], [sflag:s8] =	dma.local @!p0 [hbm:s6], $0xF7A  }
0x23: {  	s9 =	sor.u32 $0xD0000000, s2;
	s6 =	simm.s32 $0x108;
	_ =	swait.ge @!p0 [sflag:s8], $0x0  }
0x24: {  	s3 =	sadd.s32 $0x88, s3;
	s6 =	simm.s32 @!p1 $0x1082;
	[sflag:s4] =	ssyncset.s32 $0xFFFFF086  }
0x25: {  	[simem:s6], [sflag:s4] =	dma.local [hbm:s3], $0xF7A  }
0x26: {  	[smem:$0x3F97] =	sst s1;
	(tag) =	ssettag s2;
	_ =	strace s9  }
0x27: {  	s1 =	sld [smem:$0x3FA7]  }
0x28: {  	s2 =	sld [smem:$0x3FA8]  }
0x29: {  	s4 =	sld [smem:$0x3FAA]  }
0x2a: {  	p0 =	seq.s32 s5, $0x0;
	s5 =	sld [smem:$0x3FAB]  }
0x2b: {  	s6 =	sld [smem:$0x3FAC]  }
0x2c: {  	s7 =	sld [smem:$0x3FAD]  }
0x2d: {  	s3 =	simm.s32 $0x108;
	s8 =	sld [smem:$0x3FAE]  }
0x2e: {  	s3 =	simm.s32 @!p0 $0x1082;
	s9 =	sld [smem:$0x3FAF]  }
0x2f: {  	lr =	sadd.s32 s0, s3;
	s0 =	sld [smem:$0x3FA6]  }
0x30: {  	s3 =	sld [smem:$0x3FA9]  }
0x31: {  	[smem:$0x3FB2] =	sst s10  }
0x32: {  	s10 =	sld [smem:$0x3FB0];
	_ =	sdelay $0x3  }
0x33: {  	p0 =	seq.s32 s10, $0x1;
	s10 =	sld [smem:$0x3FB2];
	_ =	sdelay $0x3  }
0x34: {  	[smem:$0x3FB2] =	sst s10  }
0x35: {  	s10 =	sld [smem:$0x3FB1];
	_ =	sdelay $0x3  }
0x36: {  	p1 =	seq.s32 s10, $0x1;
	s10 =	sld [smem:$0x3FB2];
	_ =	sdelay $0x3  }
0x37: {  	[smem:$0x3FB2] =	sst s10  }
0x38: {  	s10 =	sld [smem:$0x3FB3]  }
0x39: {  	_ = 	snop;
	(pc) =	sbr.ind lr, $3  }
0x3a: {  	_ = 	snop  }
0x3b: {  	_ = 	snop  }
0x3c: {  	p2 =	seq.s32 s10, $0x1;
	s10 =	sld [smem:$0x3FB2]  }
0x3d: {  	_ =	shalt  }
0x3e: {  	_ =	shalt  }
0x3f: {  	_ =	shalt  }
0x40: {  	_ =	shalt  }
0x41: {  	_ =	shalt  }
0x42: {  	_ =	shalt  }
0x43: {  	_ =	shalt  }
0x44: {  	_ =	shalt  }
0x45: {  	_ =	shalt  }
0x46: {  	_ =	shalt  }
0x47: {  	_ =	shalt  }
0x48: {  	_ =	shalt  }
0x49: {  	_ =	shalt  }
0x4a: {  	_ =	shalt  }
0x4b: {  	_ =	shalt  }
0x4c: {  	_ =	shalt  }
0x4d: {  	_ =	shalt  }
0x4e: {  	_ =	shalt  }
0x4f: {  	_ =	shalt  }
0x50: {  	_ =	shalt  }
0x51: {  	_ =	shalt  }
0x52: {  	_ =	shalt  }
0x53: {  	_ =	shalt  }
0x54: {  	_ =	shalt  }
0x55: {  	_ =	shalt  }
0x56: {  	_ =	shalt  }
0x57: {  	_ =	shalt  }
0x58: {  	_ =	shalt  }
0x59: {  	_ =	shalt  }
0x5a: {  	_ =	shalt  }
0x5b: {  	_ =	shalt  }
0x5c: {  	_ =	shalt  }
0x5d: {  	_ =	shalt  }
0x5e: {  	_ =	shalt  }
0x5f: {  	_ =	shalt  }
0x60: {  	_ =	shalt  }
0x61: {  	_ =	shalt  }
0x62: {  	_ =	shalt  }
0x63: {  	_ =	shalt  }
0x64: {  	_ =	shalt  }
0x65: {  	_ =	shalt  }
0x66: {  	_ =	shalt  }
0x67: {  	_ =	shalt  }
0x68: {  	_ =	shalt  }
0x69: {  	_ =	shalt  }
0x6a: {  	_ =	shalt  }
0x6b: {  	_ =	shalt  }
0x6c: {  	_ =	shalt  }
0x6d: {  	_ =	shalt  }
0x6e: {  	_ =	shalt  }
0x6f: {  	_ =	shalt  }
0x70: {  	_ =	shalt  }
0x71: {  	_ =	shalt  }
0x72: {  	_ =	shalt  }
0x73: {  	_ =	shalt  }
0x74: {  	_ =	shalt  }
0x75: {  	_ =	shalt  }
0x76: {  	_ =	shalt  }
0x77: {  	_ =	shalt  }
0x78: {  	_ =	shalt  }
0x79: {  	_ =	shalt  }
0x7a: {  	_ =	shalt  }
0x7b: {  	_ =	shalt  }
0x7c: {  	_ =	shalt  }
0x7d: {  	_ =	shalt  }
0x7e: {  	_ =	shalt  }
0x7f: {  	_ =	shalt  }
0x80: {  	_ =	shalt  }
0x81: {  	_ =	shalt  }
0x82: {  	_ =	shalt  }
0x83: {  	_ =	shalt  }
0x84: {  	_ =	shalt  }
0x85: {  	_ =	shalt  }
0x86: {  	_ =	shalt  }
0x87: {  	_ =	shalt  }
.Lfunc_end0:
.L_simem_size_0:
called_computation.2_lowered:
.L_overlay_start_0:
0x88: {  	s2 =	sld [smem:$0x3FD9]  }
0x89: {  	s3 =	sld [smem:$0x3FFE];
	_ =	sdelay $0x1  }
0x8a: {  	s1 =	srdreg.scid  }
0x8b: {  	s0 =	sand.u32 $0x1, s1  }
0x8c: {  	s17 =	sshll.u32 s0, $0xA;
	s2 =	sadd.s32 s3, s2  }
0x8d: {  	s2 =	sadd.s32 s2, s17  }
0x8e: {  	[smem:$0x3FBE] =	sst s2  }
0x8f: {  	_ = 	snop  }
0x90: {  	s2 =	sld [smem:$0x3FD0];
	(tm) =	ssettm $0x1  }
0x91: {  	s18 =	sld [smem:$0x3FFB];
	_ =	sdelay $0x3  }
0x92: {  	_ =	strace s18  }
0x93: {  	s3 =	sld [smem:$0x3FFC];
	_ =	sdelay $0x3  }
0x94: {  	_ =	strace s3  }
0x95: {  	s3 =	sld [smem:$0x3FFD];
	_ =	sdelay $0x3  }
0x96: {  	_ =	strace s3  }
0x97: {  	_ =	strace $0x8FFFFFFF  }
0x98: {  	s19 =	sld [smem:$0x3FDB];
	_ =	sdelay $0x1  }
0x99: {  	s4 =	simm.s32 $_scs_section_size  }
0x9a: {  	s5 =	simm.s32 $_size__tile_overlayer_lowered;
	s6 =	simm.s32 $_tile_overlayer_lowered  }
0x9b: {  	s22 =	simm.s32 $0x1BFF;
	s21 =	sshll.u32 s6, $0x1;
	s3 =	sadd.s32 s4, s19  }
0x9c: {  	s7 =	simm.s32 $0x0;
	s20 =	sshll.u32 s5, $0x1;
	s5 =	sadd.s32 s21, s3  }
0x9d: {  	[timem:s7], [sflag:s22] =	dma.local [hbm:s5], s20  }
0x9e: {  	_ =	swait.ge [sflag:s22], s20  }
0x9f: {  	s4 =	ssub.s32 $0x0, s20;
	[sflag:s22] =	ssyncset.done $0x0  }
0xa0: {  	[sflag:s22] =	ssyncadd.s32 s4;
	_ =	sdelay $0x1  }
0xa1: {  	s23 =	simm.s32 $0x1B8B  }
0xa2: {  	_ =	swait.ge [sflag:s23], $0x1  }
0xa3: {  	[sflag:s23] =	ssyncset.done $0x0  }
0xa4: {  	s25 =	simm.s32 $0x1B8E;
	s24 =	sld [smem:$0x3FFE];
	[sflag:s23] =	ssyncadd.s32 $0xFFFFFFFF  }
0xa5: {  	s26 =	simm.s32 $execute0_lowered;
	[smem:$0x3FD2] =	sst s25  }
0xa6: {  	s5 =	sshll.u32 s26, $0x1;
	_ =	strace $0x8000004C;
	[dreg:$0x1] =	wrdreg $0xFFFFFFFF  }
0xa7: {  	s28 =	simm.s32 $_size_execute0_lowered;
	s3 =	sadd.s32 s3, s5;
	[dreg:$0x0] =	wrdreg $0x0  }
0xa8: {  	s5 =	sshll.u32 s28, $0x1;
	[dreg:$0x2] =	wrdreg s3  }
0xa9: {  	[dreg:$0x3] =	wrdreg s5  }
0xaa: {  	[dreg:$0x4] =	wrdreg $0xC0  }
0xab: {  	_ =	task [dreg:s7], $0x5FFFF  }
0xac: {  	[dreg:$0x1] =	wrdreg $0xFFFFFFFF  }
0xad: {  	[dreg:$0x0] =	wrdreg $0x60  }
0xae: {  	[dreg:$0x2] =	wrdreg s24  }
0xaf: {  	[dreg:$0x3] =	wrdreg s2  }
0xb0: {  	[dreg:$0x4] =	wrdreg $0x81000  }
0xb1: {  	[dreg:$0x5] =	wrdreg $0x9  }
0xb2: {  	_ =	task.clear_ibuf [dreg:s7], $0x6FFFF;
	_ =	strace $0x9000004C  }
0xb3: {  	s29 =	simm.s32 $0x9;
	_ =	strace $0x8000004E  }
0xb4: {  	_ =	swait.ge [sflag:s29], $0x1  }
0xb5: {  	[sflag:s29] =	ssyncadd.s32 $0xFFFFFFFF  }
0xb6: {  	_ =	strace $0x9000004E  }
0xb7: {  	_ =	sfence  }
0xb8: {  	s30 =	sld [smem:$0x0];
	_ =	sdelay $0x2  }
0xb9: {  	s31 =	sshll.u32 s1, $0xD;
	s1 =	sshrl.u32 s1, $0x2  }
0xba: {  	s3 =	sand.u32 $0x4000, s31;
	s1 =	sadd.s32 s1, s30  }
0xbb: {  	s0 =	sor.u32 s3, s0;
	s1 =	sshll.u32 s1, $0x11  }
0xbc: {  	s0 =	sor.u32 s1, s0  }
0xbd: {  	s0 =	sadd.s32 $0x8F2B, s0  }
0xbe: {  	[sflag:s0] =	ssyncadd.remote.s32 $0x1  }
0xbf: {  	_ =	sfence.sel $0xFFFF  }
0xc0: {  	[dreg:$0x0] =	wrdreg $0xFFFFFFFF;
	(pc) =	sbr.abs _section_cstart, $3  }
0xc1: {  	[dreg:$0x1] =	wrdreg $0xFFFFFFFF  }
0xc2: {  	_ =	task.clear_ibuf [dreg:s7], $0x2FFFF;
	_ =	strace $0x9FFFFFFF  }
0xc3: {  	(tm) =	ssettm $0x7FFFFFFF  }
tec
execute0_lowered:
.L_overlay_start_1:
0x0: {  	(tag) =	ssettag $0x1  }
0x1: {  	s19 =	rddreg [dreg:$0x0]  }
0x2: {  	s20 =	rddreg [dreg:$0x1]  }
0x3: {  	s2 =	rddreg [dreg:$0x2]  }
0x4: {  	s3 =	simm.s32 $0x0;
	s0 =	stileid.u32;
	s4 =	srdreg.scid  }
0x5: {  	s25 =	simm.s32 $0x34E00;
	s26 =	simm.s32 $0x1;
	s21 =	smul.u32 $0xA00, s0  }
0x6: {  	s28 =	simm.s32 $0x0;
	[smem:$0x7FF] =	sst s3;
	s6 =	smul.u32 $0x50000, s0  }
0x7: {  	s5 =	sand.u32 $0x1, s4;
	s18 =	sadd.s32 $0x5CE00, s19;
	s15 =	smul.u32 $0x14000, s0  }
0x8: {  	_ =	strace $0x8000004D;
	s4 =	ssub.s32 $0x2, s5;
	s16 =	smul.u32 $0x140000, s5  }
0x9: {  	p0 =	seq.s32 s5, $0x1;
	s22 =	sadd.s32 s21, s19;
	s7 =	sshrl.u32 s4, $0x1  }
0xa: {  	s29 =	sshrl.u32 s6, $0x2;
	s11 =	sadd.s32 $0x4000, s15;
	s13 =	sadd.s32 $0x8000, s15  }
0xb: {  	s17 =	sadd.s32 $0xC000, s15;
	s24 =	sadd.s32 $0x10000, s15;
	s25 =	simm.s32 @!p0 $0xCE00  }
0xc: {  	s20 =	sadd.s32 s21, s20;
	s7 =	ssub.s32 s4, s7;
	s4 =	sadd.s32 s29, s2  }
0xd: {  	s10 =	sadd.s32 s16, s15;
	s12 =	sadd.s32 s16, s11;
	s11 =	sadd.s32 s11, s2  }
0xe: {  	s14 =	sadd.s32 s16, s13;
	s13 =	sadd.s32 s13, s2;
	s23 =	sadd.s32 s16, s17  }
0xf: {  	s15 =	sadd.s32 s17, s2;
	s31 =	sadd.s32 s16, s24;
	s17 =	sadd.s32 s24, s2  }
0x10: {  	s19 =	sadd.s32 s25, s19;
	s21 =	sadd.s32 $0x2E00, s22;
	s22 =	simm.s32 $0x4100  }
0x11: {  	s24 =	simm.s32 $0x80;
	s25 =	simm.s32 $0x100;
	s5 =	smax.u32 s7, $0x1  }
0x12: {  	s6 =	sadd.s32 $0x4000, s4;
	s7 =	sadd.s32 $0x8000, s4;
	s8 =	sadd.s32 $0xC000, s4  }
0x13: {  	s9 =	sadd.s32 $0x10000, s4;
	s10 =	sshrl.u32 s10, $0x3;
	s12 =	sshrl.u32 s12, $0x3  }
0x14: {  	s14 =	sshrl.u32 s14, $0x3;
	s30 =	sshrl.u32 s23, $0x3;
	s23 =	sshrl.u32 s31, $0x3  }
0x15: {  	s10 =	sadd.s32 s18, s10;
	s12 =	sadd.s32 s18, s12;
	s14 =	sadd.s32 s18, s14  }
0x16: {  	v0 =	vimm.f32 $0.0e+00;
	s16 =	sadd.s32 s18, s30;
	s18 =	sadd.s32 s18, s23;
	s23 =	simm.s32 $0x2  }
.LBB2_1:
0x17: {  	s29 =	sand.u32 $0xFE00, s3  }
0x18: {  	s30 =	sand.u32 $0x70, s3;
	s31 =	sshrl.u32 s29, $0x2  }
0x19: {  	s29 =	simm.s32 $0x40;
	s31 =	sor.u32 s30, s31;
	s30 =	simm.s32 $0x0  }
.LBB2_2:
0x1a: {  	p0 =	sne.s32 s29, $0xFFC0  }
0x1b: {  	[tilespmem:s31+$0x4100] =	vst v0;
	s30 =	sadd.s32 $0x10, s30;
	s31 =	smov.u32 s29;
	s29 =	sadd.s32 $0x40, s29  }
.Ltmp0:
0x1c: {  	(pc) =	sbr.rel @p0 .LBB2_2-.Ltmp0, $4  }
0x1d: {  	_ = 	snop  }
0x1e: {  	s31 =	sand.u32 $0xFE00, s31  }
0x1f: {  	s0 =	sand.u32 $0x70, s30;
	s31 =	sshrl.u32 s31, $0x2  }
0x20: {  	s31 =	sor.u32 s0, s31  }
0x21: {  	[tilespmem:s31+$0x4100] =	vst v0  }
0x22: {  	[spmem:s4] =	stream.linear.scatter [tilespmem:s22], [sflag:$0x2], $0x4000, $0x38;
	[tilespmem:$0x1C100] =	vst v63  }
0x23: {  	_ =	swait.ge [sflag:s23], $0x4000  }
0x24: {  	[sflag:s23] =	ssyncset.done $0x0  }
0x25: {  	[sflag:s23] =	ssyncadd.s32 $0xFFFFC000  }
0x26: {  	[spmem:s6] =	stream.linear.scatter [tilespmem:s22], [sflag:$0x2], $0x4000, $0x38;
	[tilespmem:$0x1C100] =	vst v63  }
0x27: {  	_ =	swait.ge [sflag:s23], $0x4000  }
0x28: {  	[sflag:s23] =	ssyncset.done $0x0  }
0x29: {  	[sflag:s23] =	ssyncadd.s32 $0xFFFFC000  }
0x2a: {  	[spmem:s7] =	stream.linear.scatter [tilespmem:s22], [sflag:$0x2], $0x4000, $0x38;
	[tilespmem:$0x1C100] =	vst v63  }
0x2b: {  	_ =	swait.ge [sflag:s23], $0x4000  }
0x2c: {  	[sflag:s23] =	ssyncset.done $0x0  }
0x2d: {  	[sflag:s23] =	ssyncadd.s32 $0xFFFFC000  }
0x2e: {  	[spmem:s8] =	stream.linear.scatter [tilespmem:s22], [sflag:$0x2], $0x4000, $0x38;
	[tilespmem:$0x1C100] =	vst v63  }
0x2f: {  	_ =	swait.ge [sflag:s23], $0x4000  }
0x30: {  	[sflag:s23] =	ssyncset.done $0x0  }
0x31: {  	[sflag:s23] =	ssyncadd.s32 $0xFFFFC000  }
0x32: {  	[spmem:s9] =	stream.linear.scatter [tilespmem:s22], [sflag:$0x2], $0x4000, $0x38;
	[tilespmem:$0x1C100] =	vst v63  }
0x33: {  	_ =	swait.ge [sflag:s23], $0x4000  }
0x34: {  	[sflag:s23] =	ssyncset.done $0x0  }
0x35: {  	[sflag:s23] =	ssyncadd.s32 $0xFFFFC000  }
0x36: {  	s0 =	sadd.s32 $0x0, s21;
	[bflag:$0x0] =	sbarrier.arrive $0xFFFF  }
0x37: {  	[tilespmem:s3], [sflag:$0x2] =	stream.linear.gather [hbm4b:s0+s3], $0x80, $0x38;
	[tilespmem:$0x1C100] =	vst v63  }
0x38: {  	_ =	swait.ge [sflag:s23], $0x80  }
0x39: {  	[sflag:s23] =	ssyncset.done $0x0  }
0x3a: {  	[sflag:s23] =	ssyncadd.s32 $0xFFFFFF80  }
0x3b: {  	[tilespmem:s25], [sflag:$0x1] =	stream.indirect.gather [hbm4b:s19+s24], $0x80, s3, s24, $0xb8;
	[tilespmem:$0x1C100] =	vst v63  }
0x3c: {  	_ =	swait.ge [sflag:s26], $0x4000  }
0x3d: {  	[sflag:s26] =	ssyncset.done $0x0  }
0x3e: {  	s31 =	sadd.s32 $0x0, s20;
	[sflag:s26] =	ssyncadd.s32 $0xFFFFC000  }
0x3f: {  	[tilespmem:s24], [sflag:$0x2] =	stream.linear.gather [hbm4b:s31+s3], $0x80, $0x38;
	[tilespmem:$0x1C100] =	vst v63  }
0x40: {  	_ =	swait.ge [sflag:s23], $0x80  }
0x41: {  	[sflag:s23] =	ssyncset.done $0x0  }
0x42: {  	[sflag:s23] =	ssyncadd.s32 $0xFFFFFF80  }
0x43: {  	[spmem:s2] =	stream.indirect.scatter.add.f32 [tilespmem:s25], [sflag:$0x2], $0x80, s24, s24, $0xb8;
	[tilespmem:$0x1C100] =	vst v63  }
0x44: {  	_ =	swait.ge [sflag:s23], $0x4000  }
0x45: {  	s29 =	simm.s32 $0x10;
	s30 =	simm.s32 $0x20;
	[sflag:s23] =	ssyncset.done $0x0  }
.LBB2_4:
0x46: {  	s0 =	sadd.s32 s29, s21  }
0x47: {  	[sflag:s23] =	ssyncadd.s32 $0xFFFFC000;
	s31 =	smov.u32 s30;
	s1 =	sadd.s32 $0x10, s30  }
0x48: {  	[tilespmem:s3], [sflag:$0x2] =	stream.linear.gather [hbm4b:s0+s3], $0x80, $0x38;
	[tilespmem:$0x1C100] =	vst v63  }
0x49: {  	p0 =	sne.s32 s30, $0x9F0;
	_ =	swait.ge [sflag:s23], $0x80  }
0x4a: {  	[sflag:s23] =	ssyncset.done $0x0  }
0x4b: {  	[sflag:s23] =	ssyncadd.s32 $0xFFFFFF80  }
0x4c: {  	[tilespmem:s25], [sflag:$0x1] =	stream.indirect.gather [hbm4b:s19+s24], $0x80, s3, s24, $0xb8;
	[tilespmem:$0x1C100] =	vst v63  }
0x4d: {  	_ =	swait.ge [sflag:s26], $0x4000  }
0x4e: {  	[sflag:s26] =	ssyncset.done $0x0  }
0x4f: {  	s0 =	sadd.s32 s29, s20;
	s29 =	smov.u32 s31;
	[sflag:s26] =	ssyncadd.s32 $0xFFFFC000  }
0x50: {  	[tilespmem:s24], [sflag:$0x2] =	stream.linear.gather [hbm4b:s0+s3], $0x80, $0x38;
	[tilespmem:$0x1C100] =	vst v63  }
0x51: {  	_ =	swait.ge [sflag:s23], $0x80  }
.Ltmp1:
0x52: {  	[sflag:s23] =	ssyncset.done $0x0;
	(pc) =	sbr.rel @p0 .LBB2_4-.Ltmp1, $4  }
0x53: {  	[sflag:s23] =	ssyncadd.s32 $0xFFFFFF80  }
0x54: {  	[spmem:s2] =	stream.indirect.scatter.add.f32 [tilespmem:s25], [sflag:$0x2], $0x80, s24, s24, $0xb8;
	[tilespmem:$0x1C100] =	vst v63  }
0x55: {  	_ =	swait.ge [sflag:s23], $0x4000  }
0x56: {  	s30 =	smov.u32 s1;
	[sflag:s23] =	ssyncset.done $0x0  }
0x57: {  	s0 =	sadd.s32 s29, s21;
	[sflag:s23] =	ssyncadd.s32 $0xFFFFC000  }
0x58: {  	[tilespmem:s3], [sflag:$0x2] =	stream.linear.gather [hbm4b:s0+s3], $0x80, $0x38;
	[tilespmem:$0x1C100] =	vst v63  }
0x59: {  	_ =	swait.ge [sflag:s23], $0x80  }
0x5a: {  	[sflag:s23] =	ssyncset.done $0x0  }
0x5b: {  	[sflag:s23] =	ssyncadd.s32 $0xFFFFFF80  }
0x5c: {  	[tilespmem:s25], [sflag:$0x1] =	stream.indirect.gather [hbm4b:s19+s24], $0x80, s3, s24, $0xb8;
	[tilespmem:$0x1C100] =	vst v63  }
0x5d: {  	_ =	swait.ge [sflag:s26], $0x4000  }
0x5e: {  	[sflag:s26] =	ssyncset.done $0x0  }
0x5f: {  	s31 =	sadd.s32 s29, s20;
	[sflag:s26] =	ssyncadd.s32 $0xFFFFC000  }
0x60: {  	[tilespmem:s24], [sflag:$0x2] =	stream.linear.gather [hbm4b:s31+s3], $0x80, $0x38;
	[tilespmem:$0x1C100] =	vst v63  }
0x61: {  	_ =	swait.ge [sflag:s23], $0x80  }
0x62: {  	[sflag:s23] =	ssyncset.done $0x0  }
0x63: {  	[sflag:s23] =	ssyncadd.s32 $0xFFFFFF80  }
0x64: {  	[spmem:s2] =	stream.indirect.scatter.add.f32 [tilespmem:s25], [sflag:$0x2], $0x80, s24, s24, $0xb8;
	[tilespmem:$0x1C100] =	vst v63  }
0x65: {  	_ =	swait.ge [sflag:s23], $0x4000  }
0x66: {  	[sflag:s23] =	ssyncset.done $0x0  }
0x67: {  	[sflag:s23] =	ssyncadd.s32 $0xFFFFC000  }
0x68: {  	[bflag:$0x0] =	sbarrier.arrive $0xFFFF  }
0x69: {  	[tilespmem:s22], [sflag:$0x2] =	stream.linear.gather [spmem:s4], $0x4000, $0x38;
	[tilespmem:$0x1C100] =	vst v63  }
0x6a: {  	_ =	swait.ge [sflag:s23], $0x4000  }
0x6b: {  	[sflag:s23] =	ssyncset.done $0x0  }
0x6c: {  	[sflag:s23] =	ssyncadd.s32 $0xFFFFC000  }
0x6d: {  	[hbm4b:s10+s3] =	stream.linear.scatter [tilespmem:s22], [sflag:$0x2], $0x4000, $0x38;
	[tilespmem:$0x1C100] =	vst v63  }
0x6e: {  	_ =	swait.ge [sflag:s23], $0x4000  }
0x6f: {  	[sflag:s23] =	ssyncset.done $0x0  }
0x70: {  	[sflag:s23] =	ssyncadd.s32 $0xFFFFC000  }
0x71: {  	[tilespmem:s22], [sflag:$0x2] =	stream.linear.gather [spmem:s11], $0x4000, $0x38;
	[tilespmem:$0x1C100] =	vst v63  }
0x72: {  	_ =	swait.ge [sflag:s23], $0x4000  }
0x73: {  	[sflag:s23] =	ssyncset.done $0x0  }
0x74: {  	[sflag:s23] =	ssyncadd.s32 $0xFFFFC000  }
0x75: {  	[hbm4b:s12+s3] =	stream.linear.scatter [tilespmem:s22], [sflag:$0x2], $0x4000, $0x38;
	[tilespmem:$0x1C100] =	vst v63  }
0x76: {  	_ =	swait.ge [sflag:s23], $0x4000  }
0x77: {  	[sflag:s23] =	ssyncset.done $0x0  }
0x78: {  	[sflag:s23] =	ssyncadd.s32 $0xFFFFC000  }
0x79: {  	[tilespmem:s22], [sflag:$0x2] =	stream.linear.gather [spmem:s13], $0x4000, $0x38;
	[tilespmem:$0x1C100] =	vst v63  }
0x7a: {  	_ =	swait.ge [sflag:s23], $0x4000  }
0x7b: {  	[sflag:s23] =	ssyncset.done $0x0  }
0x7c: {  	[sflag:s23] =	ssyncadd.s32 $0xFFFFC000  }
0x7d: {  	[hbm4b:s14+s3] =	stream.linear.scatter [tilespmem:s22], [sflag:$0x2], $0x4000, $0x38;
	[tilespmem:$0x1C100] =	vst v63  }
0x7e: {  	_ =	swait.ge [sflag:s23], $0x4000  }
0x7f: {  	[sflag:s23] =	ssyncset.done $0x0  }
0x80: {  	[sflag:s23] =	ssyncadd.s32 $0xFFFFC000  }
0x81: {  	[tilespmem:s22], [sflag:$0x2] =	stream.linear.gather [spmem:s15], $0x4000, $0x38;
	[tilespmem:$0x1C100] =	vst v63  }
0x82: {  	_ =	swait.ge [sflag:s23], $0x4000  }
0x83: {  	[sflag:s23] =	ssyncset.done $0x0  }
0x84: {  	[sflag:s23] =	ssyncadd.s32 $0xFFFFC000  }
0x85: {  	[hbm4b:s16+s3] =	stream.linear.scatter [tilespmem:s22], [sflag:$0x2], $0x4000, $0x38;
	[tilespmem:$0x1C100] =	vst v63  }
0x86: {  	_ =	swait.ge [sflag:s23], $0x4000  }
0x87: {  	[sflag:s23] =	ssyncset.done $0x0  }
0x88: {  	[sflag:s23] =	ssyncadd.s32 $0xFFFFC000  }
0x89: {  	[tilespmem:s22], [sflag:$0x2] =	stream.linear.gather [spmem:s17], $0x4000, $0x38;
	[tilespmem:$0x1C100] =	vst v63  }
0x8a: {  	s28 =	sadd.s32 $0x1, s28;
	_ =	swait.ge [sflag:s23], $0x4000  }
0x8b: {  	p0 =	sne.s32 s28, s5;
	[sflag:s23] =	ssyncset.done $0x0  }
.Ltmp2:
0x8c: {  	[sflag:s23] =	ssyncadd.s32 $0xFFFFC000;
	(pc) =	sbr.rel @p0 .LBB2_1-.Ltmp2, $4  }
0x8d: {  	[hbm4b:s18+s3] =	stream.linear.scatter [tilespmem:s22], [sflag:$0x2], $0x4000, $0x38;
	[tilespmem:$0x1C100] =	vst v63  }
0x8e: {  	_ =	swait.ge [sflag:s23], $0x4000  }
0x8f: {  	[sflag:s23] =	ssyncset.done $0x0  }
0x90: {  	[sflag:s23] =	ssyncadd.s32 $0xFFFFC000  }
0x91: {  	_ =	sfence.sel $0x180000  }
0x92: {  	[bflag:$0x0] =	sbarrier.arrive $0xFFFF  }
0x93: {  	_ =	strace $0x9000004D  }
0x94: {  	s0 =	stileid.u32;
	[bflag:$0x2] =	sbarrier.arrive $0xFFFF  }
0x95: {  	p0 =	sne.s32 s0, $0x0;
	s0 =	rddreg [dreg:$0x3]  }
0x96: {  	s0 =	sadd.s32 @!p0 $0x100000, s0  }
0x97: {  	[sflag:s0] =	ssyncadd.tile.s32 @!p0 $0x1;
	_ =	shalt  }
.Lfunc_end2:
_tile_overlayer_lowered:
.L_overlay_start_2:
0x98: {  	(tag) =	ssettag $0x2  }
0x99: {  	s0 =	rddreg [dreg:$0x0];
	s2 =	stileid.u32  }
0x9a: {  	s1 =	rddreg [dreg:$0x1];
	p0 =	sne.s32 s2, $0x0  }
0x9b: {  	s3 =	rddreg [dreg:$0x2];
	[bflag:$0x3] =	sbarrier.arrive $0xFFFF;
	s2 =	simm.s32 @!p0 $0x1C02  }
0x9c: {  	[timem:s3], [sflag:s2] =	dma.local @!p0 [hbm:s0], s1  }
0x9d: {  	s0 =	simm.s32 @!p0 $0x2  }
0x9e: {  	_ =	swait.ge @!p0 [sflag:s0], s1  }
0x9f: {  	s1 =	ssub.s32 @!p0 $0x0, s1;
	[sflag:s0] =	ssyncset.done @!p0 $0x0  }
0xa0: {  	[sflag:s0] =	ssyncadd.s32 @!p0 s1  }
0xa1: {  	[bflag:$0x3] =	sbarrier.arrive $0xFFFF  }
0xa2: {  	_ =	shalt  }

// kernel: kernel.19.cloned.1.call-start
scs
__scs_entry_jumppad:
0x0: {  	(pc) =	sbr.rel $0x88, $3  }
0x1: {  	(tag) =	ssettag $0x0;
	lr =	simm.s32 $0x1  }
0x2: {  	[smem:$0x3F97] =	sst lr;
	_ =	strace $0xD0000000  }
0x3: {  	_ = 	snop  }
0x4: {  	_ = 	snop  }
0x5: {  	_ = 	snop  }
0x6: {  	_ = 	snop  }
0x7: {  	_ = 	snop  }
__scs_overlays_trampoline_lowered:
0x8: {  	[smem:$0x3FA6] =	sst s0  }
0x9: {  	[smem:$0x3FA7] =	sst s1  }
0xa: {  	[smem:$0x3FA8] =	sst s2  }
0xb: {  	[smem:$0x3FA9] =	sst s3  }
0xc: {  	[smem:$0x3FAA] =	sst s4  }
0xd: {  	[smem:$0x3FAB] =	sst s5  }
0xe: {  	[smem:$0x3FAC] =	sst s6  }
0xf: {  	[smem:$0x3FAD] =	sst s7  }
0x10: {  	[smem:$0x3FAE] =	sst s8  }
0x11: {  	[smem:$0x3FAF] =	sst s9;
	s0 =	simm.s32 @!p0 $0x0  }
0x12: {  	s1 =	sld [smem:$0x3F95];
	s0 =	simm.s32 @p0 $0x1  }
0x13: {  	[smem:$0x3FB0] =	sst s0;
	s0 =	simm.s32 @!p1 $0x0  }
0x14: {  	s2 =	sld [smem:$0x3F94];
	s0 =	simm.s32 @p1 $0x1  }
0x15: {  	[smem:$0x3FB1] =	sst s0;
	s0 =	simm.s32 @!p2 $0x0  }
0x16: {  	s3 =	sld [smem:$0x3FDB];
	s0 =	simm.s32 @p2 $0x1  }
0x17: {  	s4 =	simm.s32 $0x1BF5;
	[smem:$0x3FB3] =	sst s0  }
0x18: {  	s0 =	sld [smem:$0x3F96];
	_ =	swait.ge [sflag:s4], $0x0  }
0x19: {  	s7 =	sld [smem:$0x3F97]  }
0x1a: {  	s8 =	sadd.s32 $0xFFFFE003, lr  }
0x1b: {  	s9 =	sadd.s32 $0xFFFFFEF7, lr;
	s5 =	simm.s32 $0xFFFFFFFF;
	p2 =	slt.u32 s8, $0xFFFFF086  }
0x1c: {  	p1 =	slt.u32 s9, $0xF7A;
	s5 =	simm.s32 @!p2 $0x0  }
0x1d: {  	s5 =	simm.s32 @p1 $0x1;
	p0 =	seq.s32 s7, s2  }
0x1e: {  	s7 =	smul.u32 @!p0 $0xF7A, s2;
	p2 =	seq.s32 @!p0 s5, $0x0  }
0x1f: {  	s9 =	smul.u32 $0xF7A, s1;
	s8 =	simm.s32 @!p0 $0x1BF5;
	p2 =	por !p2, p0  }
0x20: {  	[sflag:s8] =	ssyncset.s32 @!p0 $0xFFFFF086;
	s6 =	sadd.s32 @!p0 s3, s7;
	s7 =	simm.s32 @!p0 $0x108  }
0x21: {  	s3 =	sadd.s32 s3, s9;
	s6 =	sadd.s32 @!p0 $0x88, s6;
	s7 =	simm.s32 @p2 $0x1082  }
0x22: {  	[simem:s7], [sflag:s8] =	dma.local @!p0 [hbm:s6], $0xF7A  }
0x23: {  	s9 =	sor.u32 $0xD0000000, s2;
	s6 =	simm.s32 $0x108;
	_ =	swait.ge @!p0 [sflag:s8], $0x0  }
0x24: {  	s3 =	sadd.s32 $0x88, s3;
	s6 =	simm.s32 @!p1 $0x1082;
	[sflag:s4] =	ssyncset.s32 $0xFFFFF086  }
0x25: {  	[simem:s6], [sflag:s4] =	dma.local [hbm:s3], $0xF7A  }
0x26: {  	[smem:$0x3F97] =	sst s1;
	(tag) =	ssettag s2;
	_ =	strace s9  }
0x27: {  	s1 =	sld [smem:$0x3FA7]  }
0x28: {  	s2 =	sld [smem:$0x3FA8]  }
0x29: {  	s4 =	sld [smem:$0x3FAA]  }
0x2a: {  	p0 =	seq.s32 s5, $0x0;
	s5 =	sld [smem:$0x3FAB]  }
0x2b: {  	s6 =	sld [smem:$0x3FAC]  }
0x2c: {  	s7 =	sld [smem:$0x3FAD]  }
0x2d: {  	s3 =	simm.s32 $0x108;
	s8 =	sld [smem:$0x3FAE]  }
0x2e: {  	s3 =	simm.s32 @!p0 $0x1082;
	s9 =	sld [smem:$0x3FAF]  }
0x2f: {  	lr =	sadd.s32 s0, s3;
	s0 =	sld [smem:$0x3FA6]  }
0x30: {  	s3 =	sld [smem:$0x3FA9]  }
0x31: {  	[smem:$0x3FB2] =	sst s10  }
0x32: {  	s10 =	sld [smem:$0x3FB0];
	_ =	sdelay $0x3  }
0x33: {  	p0 =	seq.s32 s10, $0x1;
	s10 =	sld [smem:$0x3FB2];
	_ =	sdelay $0x3  }
0x34: {  	[smem:$0x3FB2] =	sst s10  }
0x35: {  	s10 =	sld [smem:$0x3FB1];
	_ =	sdelay $0x3  }
0x36: {  	p1 =	seq.s32 s10, $0x1;
	s10 =	sld [smem:$0x3FB2];
	_ =	sdelay $0x3  }
0x37: {  	[smem:$0x3FB2] =	sst s10  }
0x38: {  	s10 =	sld [smem:$0x3FB3]  }
0x39: {  	_ = 	snop;
	(pc) =	sbr.ind lr, $3  }
0x3a: {  	_ = 	snop  }
0x3b: {  	_ = 	snop  }
0x3c: {  	p2 =	seq.s32 s10, $0x1;
	s10 =	sld [smem:$0x3FB2]  }
0x3d: {  	_ =	shalt  }
0x3e: {  	_ =	shalt  }
0x3f: {  	_ =	shalt  }
0x40: {  	_ =	shalt  }
0x41: {  	_ =	shalt  }
0x42: {  	_ =	shalt  }
0x43: {  	_ =	shalt  }
0x44: {  	_ =	shalt  }
0x45: {  	_ =	shalt  }
0x46: {  	_ =	shalt  }
0x47: {  	_ =	shalt  }
0x48: {  	_ =	shalt  }
0x49: {  	_ =	shalt  }
0x4a: {  	_ =	shalt  }
0x4b: {  	_ =	shalt  }
0x4c: {  	_ =	shalt  }
0x4d: {  	_ =	shalt  }
0x4e: {  	_ =	shalt  }
0x4f: {  	_ =	shalt  }
0x50: {  	_ =	shalt  }
0x51: {  	_ =	shalt  }
0x52: {  	_ =	shalt  }
0x53: {  	_ =	shalt  }
0x54: {  	_ =	shalt  }
0x55: {  	_ =	shalt  }
0x56: {  	_ =	shalt  }
0x57: {  	_ =	shalt  }
0x58: {  	_ =	shalt  }
0x59: {  	_ =	shalt  }
0x5a: {  	_ =	shalt  }
0x5b: {  	_ =	shalt  }
0x5c: {  	_ =	shalt  }
0x5d: {  	_ =	shalt  }
0x5e: {  	_ =	shalt  }
0x5f: {  	_ =	shalt  }
0x60: {  	_ =	shalt  }
0x61: {  	_ =	shalt  }
0x62: {  	_ =	shalt  }
0x63: {  	_ =	shalt  }
0x64: {  	_ =	shalt  }
0x65: {  	_ =	shalt  }
0x66: {  	_ =	shalt  }
0x67: {  	_ =	shalt  }
0x68: {  	_ =	shalt  }
0x69: {  	_ =	shalt  }
0x6a: {  	_ =	shalt  }
0x6b: {  	_ =	shalt  }
0x6c: {  	_ =	shalt  }
0x6d: {  	_ =	shalt  }
0x6e: {  	_ =	shalt  }
0x6f: {  	_ =	shalt  }
0x70: {  	_ =	shalt  }
0x71: {  	_ =	shalt  }
0x72: {  	_ =	shalt  }
0x73: {  	_ =	shalt  }
0x74: {  	_ =	shalt  }
0x75: {  	_ =	shalt  }
0x76: {  	_ =	shalt  }
0x77: {  	_ =	shalt  }
0x78: {  	_ =	shalt  }
0x79: {  	_ =	shalt  }
0x7a: {  	_ =	shalt  }
0x7b: {  	_ =	shalt  }
0x7c: {  	_ =	shalt  }
0x7d: {  	_ =	shalt  }
0x7e: {  	_ =	shalt  }
0x7f: {  	_ =	shalt  }
0x80: {  	_ =	shalt  }
0x81: {  	_ =	shalt  }
0x82: {  	_ =	shalt  }
0x83: {  	_ =	shalt  }
0x84: {  	_ =	shalt  }
0x85: {  	_ =	shalt  }
0x86: {  	_ =	shalt  }
0x87: {  	_ =	shalt  }
.Lfunc_end0:
.L_simem_size_0:
called_computation.3_lowered:
.L_overlay_start_0:
0x88: {  	s2 =	sld [smem:$0x3FD9]  }
0x89: {  	s3 =	sld [smem:$0x3FFE];
	_ =	sdelay $0x1  }
0x8a: {  	s1 =	srdreg.scid  }
0x8b: {  	s0 =	sand.u32 $0x1, s1  }
0x8c: {  	s17 =	sshll.u32 s0, $0xA;
	s2 =	sadd.s32 s3, s2  }
0x8d: {  	s2 =	sadd.s32 s2, s17  }
0x8e: {  	[smem:$0x3FBE] =	sst s2  }
0x8f: {  	_ = 	snop  }
0x90: {  	s2 =	sld [smem:$0x3FD0];
	(tm) =	ssettm $0x1  }
0x91: {  	s18 =	sld [smem:$0x3FFB];
	_ =	sdelay $0x3  }
0x92: {  	_ =	strace s18  }
0x93: {  	s3 =	sld [smem:$0x3FFC];
	_ =	sdelay $0x3  }
0x94: {  	_ =	strace s3  }
0x95: {  	s3 =	sld [smem:$0x3FFD];
	_ =	sdelay $0x3  }
0x96: {  	_ =	strace s3  }
0x97: {  	_ =	strace $0x8FFFFFFF  }
0x98: {  	s19 =	sld [smem:$0x3FDB];
	_ =	sdelay $0x1  }
0x99: {  	s4 =	simm.s32 $_scs_section_size  }
0x9a: {  	s5 =	simm.s32 $_size__tile_overlayer_lowered;
	s6 =	simm.s32 $_tile_overlayer_lowered  }
0x9b: {  	s22 =	simm.s32 $0x1BFF;
	s21 =	sshll.u32 s6, $0x1;
	s3 =	sadd.s32 s4, s19  }
0x9c: {  	s7 =	simm.s32 $0x0;
	s20 =	sshll.u32 s5, $0x1;
	s5 =	sadd.s32 s21, s3  }
0x9d: {  	[timem:s7], [sflag:s22] =	dma.local [hbm:s5], s20  }
0x9e: {  	_ =	swait.ge [sflag:s22], s20  }
0x9f: {  	s4 =	ssub.s32 $0x0, s20;
	[sflag:s22] =	ssyncset.done $0x0  }
0xa0: {  	[sflag:s22] =	ssyncadd.s32 s4;
	_ =	sdelay $0x1  }
0xa1: {  	s23 =	simm.s32 $0x1B8B  }
0xa2: {  	_ =	swait.ge [sflag:s23], $0x1  }
0xa3: {  	[sflag:s23] =	ssyncset.done $0x0  }
0xa4: {  	s25 =	simm.s32 $0x1B8E;
	s24 =	sld [smem:$0x3FFE];
	[sflag:s23] =	ssyncadd.s32 $0xFFFFFFFF  }
0xa5: {  	s26 =	simm.s32 $execute0_lowered;
	[smem:$0x3FD2] =	sst s25  }
0xa6: {  	s5 =	sshll.u32 s26, $0x1;
	_ =	strace $0x8000004F;
	[dreg:$0x1] =	wrdreg $0xFFFFFFFF  }
0xa7: {  	s28 =	simm.s32 $_size_execute0_lowered;
	s3 =	sadd.s32 s3, s5;
	[dreg:$0x0] =	wrdreg $0x0  }
0xa8: {  	s5 =	sshll.u32 s28, $0x1;
	[dreg:$0x2] =	wrdreg s3  }
0xa9: {  	[dreg:$0x3] =	wrdreg s5  }
0xaa: {  	[dreg:$0x4] =	wrdreg $0xC0  }
0xab: {  	_ =	task [dreg:s7], $0x5FFFF  }
0xac: {  	[dreg:$0x1] =	wrdreg $0xFFFFFFFF  }
0xad: {  	[dreg:$0x0] =	wrdreg $0x60  }
0xae: {  	[dreg:$0x2] =	wrdreg s24  }
0xaf: {  	[dreg:$0x3] =	wrdreg s2  }
0xb0: {  	[dreg:$0x4] =	wrdreg $0x31000  }
0xb1: {  	[dreg:$0x5] =	wrdreg $0x9  }
0xb2: {  	_ =	task.clear_ibuf [dreg:s7], $0x6FFFF;
	_ =	strace $0x9000004F  }
0xb3: {  	s29 =	simm.s32 $0x9;
	_ =	strace $0x80000051  }
0xb4: {  	_ =	swait.ge [sflag:s29], $0x1  }
0xb5: {  	[sflag:s29] =	ssyncadd.s32 $0xFFFFFFFF  }
0xb6: {  	_ =	strace $0x90000051  }
0xb7: {  	_ =	sfence  }
0xb8: {  	s30 =	sld [smem:$0x0];
	_ =	sdelay $0x2  }
0xb9: {  	s31 =	sshll.u32 s1, $0xD;
	s1 =	sshrl.u32 s1, $0x2  }
0xba: {  	s3 =	sand.u32 $0x4000, s31;
	s1 =	sadd.s32 s1, s30  }
0xbb: {  	s0 =	sor.u32 s3, s0;
	s1 =	sshll.u32 s1, $0x11  }
0xbc: {  	s0 =	sor.u32 s1, s0  }
0xbd: {  	s0 =	sadd.s32 $0x8F2B, s0  }
0xbe: {  	[sflag:s0] =	ssyncadd.remote.s32 $0x1  }
0xbf: {  	_ =	sfence.sel $0xFFFF  }
0xc0: {  	[dreg:$0x0] =	wrdreg $0xFFFFFFFF;
	(pc) =	sbr.abs _section_cstart, $3  }
0xc1: {  	[dreg:$0x1] =	wrdreg $0xFFFFFFFF  }
0xc2: {  	_ =	task.clear_ibuf [dreg:s7], $0x2FFFF;
	_ =	strace $0x9FFFFFFF  }
0xc3: {  	(tm) =	ssettm $0x7FFFFFFF  }
tec
execute0_lowered:
.L_overlay_start_1:
0x0: {  	(tag) =	ssettag $0x1  }
0x1: {  	s0 =	rddreg [dreg:$0x0];
	s7 =	stileid.u32  }
0x2: {  	s1 =	srdreg.scid;
	s4 =	smul.u32 $0x5000, s7  }
0x3: {  	s21 =	rddreg [dreg:$0x1];
	s12 =	smul.u32 $0x280, s7  }
0x4: {  	s2 =	rddreg [dreg:$0x2];
	s17 =	smul.u32 $0x7800, s7  }
0x5: {  	s3 =	simm.s32 $0x0;
	s1 =	sand.u32 $0x1, s1;
	s10 =	smul.u32 $0x1E000, s7  }
0x6: {  	s28 =	simm.s32 $0x1;
	s29 =	simm.s32 $0x0;
	s5 =	smul.u32 $0x2800, s1  }
0x7: {  	[smem:$0x7FF] =	sst s3;
	s18 =	smul.u32 $0x78000, s1;
	s1 =	ssub.s32 $0x2, s1  }
0x8: {  	_ =	strace $0x80000050;
	s6 =	sshrl.u32 s1, $0x1;
	s11 =	sadd.s32 $0x80, s12  }
0x9: {  	s13 =	sadd.s32 s17, s2;
	s14 =	sshrl.u32 s10, $0x2;
	s9 =	sadd.s32 $0xC000, s10  }
0xa: {  	s16 =	sadd.s32 $0x12000, s10;
	s12 =	sadd.s32 $0x18000, s10;
	s4 =	sadd.s32 s5, s4  }
0xb: {  	s1 =	ssub.s32 s1, s6;
	[dreg:$0x4] =	wrdreg s13;
	s8 =	smul.u32 $0xC0, s11  }
0xc: {  	s9 =	sshrl.u32 s9, $0x2;
	s13 =	smul.u32 $0x30, s11;
	s19 =	sshrl.u32 s12, $0x2  }
0xd: {  	s20 =	sadd.s32 s18, s17;
	s22 =	sshrl.u32 s4, $0x3;
	s4 =	sadd.s32 $0xCE00, s0  }
0xe: {  	s1 =	smax.u32 s1, $0x1;
	s9 =	sadd.s32 s9, s2;
	s11 =	sadd.s32 s19, s2  }
0xf: {  	s24 =	sshrl.u32 s20, $0x3;
	s19 =	sadd.s32 $0x4800, s17;
	s20 =	sadd.s32 $0x6000, s17  }
0x10: {  	s23 =	sadd.s32 s22, s0;
	s0 =	sadd.s32 $0x1BE00, s0;
	[dreg:$0x5] =	wrdreg s1  }
0x11: {  	s1 =	sadd.s32 s14, s2;
	s15 =	sshrl.u32 s8, $0x2;
	s14 =	sadd.s32 s18, s13  }
0x12: {  	s13 =	sadd.s32 s13, s2;
	s30 =	sadd.s32 s18, s19;
	s21 =	sadd.s32 s22, s21  }
0x13: {  	[dreg:$0x6] =	wrdreg s1;
	s8 =	sadd.s32 s15, s2;
	s1 =	sshrl.u32 s16, $0x2  }
0x14: {  	s12 =	sadd.s32 s0, s24;
	s25 =	sshrl.u32 s14, $0x3;
	s15 =	sadd.s32 $0x3000, s17  }
0x15: {  	s17 =	sadd.s32 s19, s2;
	s24 =	sadd.s32 s18, s20;
	s19 =	sadd.s32 s20, s2  }
0x16: {  	s22 =	sadd.s32 $0x2E00, s23;
	s23 =	simm.s32 $0x1900;
	s10 =	sadd.s32 s1, s2  }
0x17: {  	s14 =	sadd.s32 s0, s25;
	s26 =	sadd.s32 s18, s15;
	s15 =	sadd.s32 s15, s2  }
0x18: {  	s31 =	sshrl.u32 s24, $0x3;
	s24 =	simm.s32 $0x2;
	s1 =	sshrl.u32 s26, $0x3  }
0x19: {  	s25 =	simm.s32 $0x80;
	s16 =	sadd.s32 s0, s1;
	s1 =	sshrl.u32 s30, $0x3  }
0x1a: {  	v0 =	vimm.f32 $0.0e+00;
	s20 =	sadd.s32 s0, s31;
	s26 =	simm.s32 $0x100;
	s18 =	sadd.s32 s0, s1  }
.LBB2_1:
0x1b: {  	s0 =	smul.u32 $0xAAAB, s3;
	_ =	sdelay $0x1  }
0x1c: {  	s31 =	sshrl.u32 s0, $0x11  }
0x1d: {  	s30 =	simm.s32 $0x1;
	s1 =	simm.s32 $0x0;
	s0 =	smul.u32 $0x3, s31  }
.LBB2_2:
0x1e: {  	s5 =	smul.u32 $0xAAAB, s30;
	s6 =	smov.u32 s30  }
0x1f: {  	p0 =	sne.s32 s30, $0x17F;
	s0 =	ssub.s32 s1, s0;
	s1 =	smul.u32 $0xC0, s31  }
.Ltmp0:
0x20: {  	(pc) =	sbr.rel @p0 .LBB2_2-.Ltmp0, $4  }
0x21: {  	s30 =	sadd.s32 $0x1, s30;
	s0 =	sand.u32 $0xFFFF, s0  }
0x22: {  	s7 =	sshrl.u32 s1, $0x2;
	s0 =	sshll.u32 s0, $0x4;
	s1 =	smov.u32 s6  }
0x23: {  	s31 =	sshrl.u32 s5, $0x11;
	s5 =	sadd.s32 s0, s7  }
0x24: {  	s0 =	smul.u32 $0x3, s31;
	[tilespmem:s5+$0x1900] =	vst v0  }
0x25: {  	_ = 	snop  }
0x26: {  	s5 =	smul.u32 $0xC0, s31;
	s0 =	ssub.s32 s1, s0  }
0x27: {  	s0 =	sand.u32 $0xFFFF, s0  }
0x28: {  	s1 =	sshrl.u32 s5, $0x2;
	s0 =	sshll.u32 s0, $0x4  }
0x29: {  	s0 =	sadd.s32 s0, s1  }
0x2a: {  	s6 =	rddreg [dreg:$0x6];
	[tilespmem:s0+$0x1900] =	vst v0  }
0x2b: {  	[spmem:s6] =	stream.linear.scatter [tilespmem:s23], [sflag:$0x2], $0x1800, $0x38;
	[tilespmem:$0xA900] =	vst v63  }
0x2c: {  	_ =	swait.ge [sflag:s24], $0x1800  }
0x2d: {  	[sflag:s24] =	ssyncset.done $0x0  }
0x2e: {  	[sflag:s24] =	ssyncadd.s32 $0xFFFFE800  }
0x2f: {  	[spmem:s8] =	stream.linear.scatter [tilespmem:s23], [sflag:$0x2], $0x1800, $0x38;
	[tilespmem:$0xA900] =	vst v63  }
0x30: {  	_ =	swait.ge [sflag:s24], $0x1800  }
0x31: {  	[sflag:s24] =	ssyncset.done $0x0  }
0x32: {  	[sflag:s24] =	ssyncadd.s32 $0xFFFFE800  }
0x33: {  	[spmem:s9] =	stream.linear.scatter [tilespmem:s23], [sflag:$0x2], $0x1800, $0x38;
	[tilespmem:$0xA900] =	vst v63  }
0x34: {  	_ =	swait.ge [sflag:s24], $0x1800  }
0x35: {  	[sflag:s24] =	ssyncset.done $0x0  }
0x36: {  	[sflag:s24] =	ssyncadd.s32 $0xFFFFE800  }
0x37: {  	[spmem:s10] =	stream.linear.scatter [tilespmem:s23], [sflag:$0x2], $0x1800, $0x38;
	[tilespmem:$0xA900] =	vst v63  }
0x38: {  	_ =	swait.ge [sflag:s24], $0x1800  }
0x39: {  	[sflag:s24] =	ssyncset.done $0x0  }
0x3a: {  	[sflag:s24] =	ssyncadd.s32 $0xFFFFE800  }
0x3b: {  	[spmem:s11] =	stream.linear.scatter [tilespmem:s23], [sflag:$0x2], $0x1800, $0x38;
	[tilespmem:$0xA900] =	vst v63  }
0x3c: {  	_ =	swait.ge [sflag:s24], $0x1800  }
0x3d: {  	[sflag:s24] =	ssyncset.done $0x0  }
0x3e: {  	[sflag:s24] =	ssyncadd.s32 $0xFFFFE800  }
0x3f: {  	s7 =	sadd.s32 $0x0, s22;
	[bflag:$0x0] =	sbarrier.arrive $0xFFFF  }
0x40: {  	[tilespmem:s3], [sflag:$0x2] =	stream.linear.gather [hbm4b:s7+s3], $0x80, $0x38;
	[tilespmem:$0xA900] =	vst v63  }
0x41: {  	_ =	swait.ge [sflag:s24], $0x80  }
0x42: {  	[sflag:s24] =	ssyncset.done $0x0  }
0x43: {  	[sflag:s24] =	ssyncadd.s32 $0xFFFFFF80  }
0x44: {  	[tilespmem:s26], [sflag:$0x1] =	stream.indirect.gather [hbm4b:s4+s25], $0x30, s3, s25, $0xb8;
	[tilespmem:$0xA900] =	vst v63  }
0x45: {  	s31 =	sadd.s32 $0x0, s21  }
0x46: {  	[tilespmem:s25], [sflag:$0x2] =	stream.linear.gather [hbm4b:s31+s3], $0x80, $0x38;
	[tilespmem:$0xA900] =	vst v63  }
0x47: {  	_ =	swait.ge [sflag:s24], $0x80  }
0x48: {  	[sflag:s24] =	ssyncset.done $0x0  }
0x49: {  	[sflag:s24] =	ssyncadd.s32 $0xFFFFFF80  }
0x4a: {  	_ =	swait.ge [sflag:s28], $0x1800  }
0x4b: {  	[sflag:s28] =	ssyncset.done $0x0  }
0x4c: {  	[sflag:s28] =	ssyncadd.s32 $0xFFFFE800  }
0x4d: {  	[spmem:s2] =	stream.indirect.scatter.add.f32 [tilespmem:s26], [sflag:$0x2], $0x30, s25, s25, $0xb8;
	[tilespmem:$0xA900] =	vst v63  }
0x4e: {  	_ =	swait.ge [sflag:s24], $0x1800  }
0x4f: {  	s30 =	simm.s32 $0x10;
	s1 =	simm.s32 $0x20;
	[sflag:s24] =	ssyncset.done $0x0  }
.LBB2_4:
0x50: {  	s0 =	sadd.s32 s30, s22  }
0x51: {  	[sflag:s24] =	ssyncadd.s32 $0xFFFFE800;
	s5 =	smov.u32 s1;
	s6 =	sadd.s32 $0x10, s1  }
0x52: {  	[tilespmem:s3], [sflag:$0x2] =	stream.linear.gather [hbm4b:s0+s3], $0x80, $0x38;
	[tilespmem:$0xA900] =	vst v63  }
0x53: {  	p0 =	sne.s32 s1, $0x4F0;
	_ =	swait.ge [sflag:s24], $0x80  }
0x54: {  	[sflag:s24] =	ssyncset.done $0x0  }
0x55: {  	[sflag:s24] =	ssyncadd.s32 $0xFFFFFF80  }
0x56: {  	[tilespmem:s26], [sflag:$0x1] =	stream.indirect.gather [hbm4b:s4+s25], $0x30, s3, s25, $0xb8;
	[tilespmem:$0xA900] =	vst v63  }
0x57: {  	s0 =	sadd.s32 s30, s21;
	s30 =	smov.u32 s5  }
0x58: {  	[tilespmem:s25], [sflag:$0x2] =	stream.linear.gather [hbm4b:s0+s3], $0x80, $0x38;
	[tilespmem:$0xA900] =	vst v63  }
0x59: {  	_ =	swait.ge [sflag:s24], $0x80  }
0x5a: {  	[sflag:s24] =	ssyncset.done $0x0  }
0x5b: {  	[sflag:s24] =	ssyncadd.s32 $0xFFFFFF80  }
0x5c: {  	_ =	swait.ge [sflag:s28], $0x1800  }
.Ltmp1:
0x5d: {  	[sflag:s28] =	ssyncset.done $0x0;
	(pc) =	sbr.rel @p0 .LBB2_4-.Ltmp1, $4  }
0x5e: {  	[sflag:s28] =	ssyncadd.s32 $0xFFFFE800  }
0x5f: {  	[spmem:s2] =	stream.indirect.scatter.add.f32 [tilespmem:s26], [sflag:$0x2], $0x30, s25, s25, $0xb8;
	[tilespmem:$0xA900] =	vst v63  }
0x60: {  	_ =	swait.ge [sflag:s24], $0x1800  }
0x61: {  	s1 =	smov.u32 s6;
	[sflag:s24] =	ssyncset.done $0x0  }
0x62: {  	s0 =	sadd.s32 s30, s22;
	[sflag:s24] =	ssyncadd.s32 $0xFFFFE800  }
0x63: {  	[tilespmem:s3], [sflag:$0x2] =	stream.linear.gather [hbm4b:s0+s3], $0x80, $0x38;
	[tilespmem:$0xA900] =	vst v63  }
0x64: {  	_ =	swait.ge [sflag:s24], $0x80  }
0x65: {  	[sflag:s24] =	ssyncset.done $0x0  }
0x66: {  	[sflag:s24] =	ssyncadd.s32 $0xFFFFFF80  }
0x67: {  	[tilespmem:s26], [sflag:$0x1] =	stream.indirect.gather [hbm4b:s4+s25], $0x30, s3, s25, $0xb8;
	[tilespmem:$0xA900] =	vst v63  }
0x68: {  	s7 =	sadd.s32 s30, s21  }
0x69: {  	[tilespmem:s25], [sflag:$0x2] =	stream.linear.gather [hbm4b:s7+s3], $0x80, $0x38;
	[tilespmem:$0xA900] =	vst v63  }
0x6a: {  	_ =	swait.ge [sflag:s24], $0x80  }
0x6b: {  	[sflag:s24] =	ssyncset.done $0x0  }
0x6c: {  	[sflag:s24] =	ssyncadd.s32 $0xFFFFFF80  }
0x6d: {  	_ =	swait.ge [sflag:s28], $0x1800  }
0x6e: {  	[sflag:s28] =	ssyncset.done $0x0  }
0x6f: {  	[sflag:s28] =	ssyncadd.s32 $0xFFFFE800  }
0x70: {  	[spmem:s2] =	stream.indirect.scatter.add.f32 [tilespmem:s26], [sflag:$0x2], $0x30, s25, s25, $0xb8;
	[tilespmem:$0xA900] =	vst v63  }
0x71: {  	_ =	swait.ge [sflag:s24], $0x1800  }
0x72: {  	[sflag:s24] =	ssyncset.done $0x0  }
0x73: {  	[sflag:s24] =	ssyncadd.s32 $0xFFFFE800  }
0x74: {  	[bflag:$0x0] =	sbarrier.arrive $0xFFFF  }
0x75: {  	s30 =	rddreg [dreg:$0x4]  }
0x76: {  	[tilespmem:s23], [sflag:$0x2] =	stream.linear.gather [spmem:s30], $0x1800, $0x38;
	[tilespmem:$0xA900] =	vst v63  }
0x77: {  	_ =	swait.ge [sflag:s24], $0x1800  }
0x78: {  	[sflag:s24] =	ssyncset.done $0x0  }
0x79: {  	[sflag:s24] =	ssyncadd.s32 $0xFFFFE800  }
0x7a: {  	[hbm4b:s12+s3] =	stream.linear.scatter [tilespmem:s23], [sflag:$0x2], $0x1800, $0x38;
	[tilespmem:$0xA900] =	vst v63  }
0x7b: {  	_ =	swait.ge [sflag:s24], $0x1800  }
0x7c: {  	[sflag:s24] =	ssyncset.done $0x0  }
0x7d: {  	[sflag:s24] =	ssyncadd.s32 $0xFFFFE800  }
0x7e: {  	[tilespmem:s23], [sflag:$0x2] =	stream.linear.gather [spmem:s13], $0x1800, $0x38;
	[tilespmem:$0xA900] =	vst v63  }
0x7f: {  	_ =	swait.ge [sflag:s24], $0x1800  }
0x80: {  	[sflag:s24] =	ssyncset.done $0x0  }
0x81: {  	[sflag:s24] =	ssyncadd.s32 $0xFFFFE800  }
0x82: {  	[hbm4b:s14+s3] =	stream.linear.scatter [tilespmem:s23], [sflag:$0x2], $0x1800, $0x38;
	[tilespmem:$0xA900] =	vst v63  }
0x83: {  	_ =	swait.ge [sflag:s24], $0x1800  }
0x84: {  	[sflag:s24] =	ssyncset.done $0x0  }
0x85: {  	[sflag:s24] =	ssyncadd.s32 $0xFFFFE800  }
0x86: {  	[tilespmem:s23], [sflag:$0x2] =	stream.linear.gather [spmem:s15], $0x1800, $0x38;
	[tilespmem:$0xA900] =	vst v63  }
0x87: {  	_ =	swait.ge [sflag:s24], $0x1800  }
0x88: {  	[sflag:s24] =	ssyncset.done $0x0  }
0x89: {  	[sflag:s24] =	ssyncadd.s32 $0xFFFFE800  }
0x8a: {  	[hbm4b:s16+s3] =	stream.linear.scatter [tilespmem:s23], [sflag:$0x2], $0x1800, $0x38;
	[tilespmem:$0xA900] =	vst v63  }
0x8b: {  	_ =	swait.ge [sflag:s24], $0x1800  }
0x8c: {  	[sflag:s24] =	ssyncset.done $0x0  }
0x8d: {  	[sflag:s24] =	ssyncadd.s32 $0xFFFFE800  }
0x8e: {  	[tilespmem:s23], [sflag:$0x2] =	stream.linear.gather [spmem:s17], $0x1800, $0x38;
	[tilespmem:$0xA900] =	vst v63  }
0x8f: {  	_ =	swait.ge [sflag:s24], $0x1800  }
0x90: {  	[sflag:s24] =	ssyncset.done $0x0  }
0x91: {  	[sflag:s24] =	ssyncadd.s32 $0xFFFFE800  }
0x92: {  	[hbm4b:s18+s3] =	stream.linear.scatter [tilespmem:s23], [sflag:$0x2], $0x1800, $0x38;
	[tilespmem:$0xA900] =	vst v63  }
0x93: {  	_ =	swait.ge [sflag:s24], $0x1800  }
0x94: {  	[sflag:s24] =	ssyncset.done $0x0  }
0x95: {  	[sflag:s24] =	ssyncadd.s32 $0xFFFFE800  }
0x96: {  	[tilespmem:s23], [sflag:$0x2] =	stream.linear.gather [spmem:s19], $0x1800, $0x38;
	[tilespmem:$0xA900] =	vst v63  }
0x97: {  	_ =	swait.ge [sflag:s24], $0x1800  }
0x98: {  	[sflag:s24] =	ssyncset.done $0x0  }
0x99: {  	[sflag:s24] =	ssyncadd.s32 $0xFFFFE800  }
0x9a: {  	[hbm4b:s20+s3] =	stream.linear.scatter [tilespmem:s23], [sflag:$0x2], $0x1800, $0x38;
	[tilespmem:$0xA900] =	vst v63  }
0x9b: {  	_ =	swait.ge [sflag:s24], $0x1800  }
0x9c: {  	s29 =	sadd.s32 $0x1, s29;
	s31 =	rddreg [dreg:$0x5]  }
0x9d: {  	p0 =	sne.s32 s29, s31  }
.Ltmp2:
0x9e: {  	_ = 	snop;
	(pc) =	sbr.rel @p0 .LBB2_1-.Ltmp2, $3  }
0x9f: {  	_ =	sdelay $0x1  }
0xa0: {  	[sflag:s24] =	ssyncset.done $0x0  }
0xa1: {  	[sflag:s24] =	ssyncadd.s32 $0xFFFFE800  }
0xa2: {  	_ =	sfence.sel $0x180000  }
0xa3: {  	[bflag:$0x0] =	sbarrier.arrive $0xFFFF  }
0xa4: {  	_ =	strace $0x90000050  }
0xa5: {  	s0 =	stileid.u32;
	[bflag:$0x2] =	sbarrier.arrive $0xFFFF  }
0xa6: {  	p0 =	sne.s32 s0, $0x0;
	s0 =	rddreg [dreg:$0x3]  }
0xa7: {  	s0 =	sadd.s32 @!p0 $0x100000, s0  }
0xa8: {  	[sflag:s0] =	ssyncadd.tile.s32 @!p0 $0x1;
	_ =	shalt  }
.Lfunc_end2:
_tile_overlayer_lowered:
.L_overlay_start_2:
0xa9: {  	(tag) =	ssettag $0x2  }
0xaa: {  	s0 =	rddreg [dreg:$0x0];
	s2 =	stileid.u32  }
0xab: {  	s1 =	rddreg [dreg:$0x1];
	p0 =	sne.s32 s2, $0x0  }
0xac: {  	s3 =	rddreg [dreg:$0x2];
	[bflag:$0x3] =	sbarrier.arrive $0xFFFF;
	s2 =	simm.s32 @!p0 $0x1C02  }
0xad: {  	[timem:s3], [sflag:s2] =	dma.local @!p0 [hbm:s0], s1  }
0xae: {  	s0 =	simm.s32 @!p0 $0x2  }
0xaf: {  	_ =	swait.ge @!p0 [sflag:s0], s1  }
0xb0: {  	s1 =	ssub.s32 @!p0 $0x0, s1;
	[sflag:s0] =	ssyncset.done @!p0 $0x0  }
0xb1: {  	[sflag:s0] =	ssyncadd.s32 @!p0 s1  }
0xb2: {  	[bflag:$0x3] =	sbarrier.arrive $0xFFFF  }
0xb3: {  	_ =	shalt  }

</sc_bundles>
